<compile_context>
chip_gen: v7x
topology: tpu7x:2x2x1
jax: 0.10.2.dev20260603
libtpu: 0.0.44.dev20260713+nightly
codegen_flags: <defaults>
</compile_context>

<pallas_src>
import functools

import numpy as np

import jax
import jax.numpy as jnp
from jax import lax
from jax.experimental import pallas as pl
from jax.experimental.pallas import tpu as pltpu
from jax.experimental.pallas import tpu_sc as plsc

N_NODES = 10000
D_FEAT = 128
EMB = 32
N_REL = 3
N_GRAPHS = 64

NW = 32
EDGE_BLK = 128
E_PAD = 327680
N_EDGE_ROWS = E_PAD // EDGE_BLK
BLKS_PER_W = N_EDGE_ROWS // NW
ACC_ROWS = 10112
ROWS_PER_TILE = ACC_ROWS // 16
MM_GRID = 10
MM_BLK = N_NODES // MM_GRID
EROW_BLK = N_EDGE_ROWS // MM_GRID
RED_GRID = 8
RED_BLK = ACC_ROWS // RED_GRID



def _mm_body(x_ref, w_ref, s_ref, t_ref, h0_ref, t2_ref, g_ref):
    r = pl.program_id(1)
    y = jnp.dot(x_ref[...], w_ref[...], preferred_element_type=jnp.float32)
    lane = lax.broadcasted_iota(jnp.int32, (MM_BLK, D_FEAT), 1)
    t2_ref[...] = jnp.where((lane // EMB) == r, y, 0.0)

    @pl.when(r == 0)
    def _():
        h0_ref[...] = lax.slice(y, (0, D_FEAT - EMB), (MM_BLK, D_FEAT))
        g_ref[...] = t_ref[...] * N_NODES + s_ref[...]


_mm_call = pl.pallas_call(
    _mm_body,
    grid=(MM_GRID, N_REL),
    in_specs=[
        pl.BlockSpec((MM_BLK, D_FEAT), lambda i, r: (i, 0)),
        pl.BlockSpec((D_FEAT, D_FEAT), lambda i, r: (0, 0)),
        pl.BlockSpec((EROW_BLK, EDGE_BLK), lambda i, r: (i, 0)),
        pl.BlockSpec((EROW_BLK, EDGE_BLK), lambda i, r: (i, 0)),
    ],
    out_specs=[
        pl.BlockSpec((MM_BLK, EMB), lambda i, r: (i, 0)),
        pl.BlockSpec((MM_BLK, D_FEAT), lambda i, r: (r * MM_GRID + i, 0)),
        pl.BlockSpec((EROW_BLK, EDGE_BLK), lambda i, r: (i, 0)),
    ],
    out_shape=[
        jax.ShapeDtypeStruct((N_NODES, EMB), jnp.float32),
        jax.ShapeDtypeStruct((N_REL * N_NODES, D_FEAT), jnp.float32),
        jax.ShapeDtypeStruct((N_EDGE_ROWS, EDGE_BLK), jnp.int32),
    ],
)



@functools.cache
def _edge_agg_call():
    return functools.partial(
        pl.kernel,
        out_type=jax.ShapeDtypeStruct((2, ACC_ROWS, D_FEAT), jnp.float32),
        mesh=plsc.VectorSubcoreMesh(core_axis_name="c", subcore_axis_name="s",
                                    num_cores=2, num_subcores=16),
        scratch_types=[
            pltpu.VMEM((BLKS_PER_W // 2, EDGE_BLK), jnp.int32),
            pltpu.VMEM((BLKS_PER_W // 2, EDGE_BLK), jnp.int32),
            pltpu.VMEM((EDGE_BLK, D_FEAT), jnp.float32),
            pltpu.VMEM((EDGE_BLK, D_FEAT), jnp.float32),
            pltpu.VMEM_SHARED((ACC_ROWS, D_FEAT), jnp.float32),
            pltpu.SemaphoreType.DMA,
            pltpu.SemaphoreType.DMA,
            pltpu.SemaphoreType.DMA,
            pltpu.SemaphoreType.DMA,
        ],
    )(_edge_agg)


def _edge_agg(t2_hbm, gidx_hbm, dst_hbm, zeros_hbm, out_hbm,
              gidx_v, dst_v, rows_a, rows_b, acc_sh,
              sem_ga, sem_gb, sem_sa, sem_sb):
    cid = lax.axis_index("c")
    sid = lax.axis_index("s")
    wid = cid * 16 + sid
    half = BLKS_PER_W // 2

    def gather(j, rows, sem):
        return pltpu.async_copy(t2_hbm.at[gidx_v.at[j]], rows, sem)

    def scatter(j, rows, sem):
        return pltpu.async_copy(rows, acc_sh.at[dst_v.at[j]], sem, add=True)

    def stage(blk0):
        pltpu.sync_copy(gidx_hbm.at[pl.ds(blk0, half)], gidx_v)
        pltpu.sync_copy(dst_hbm.at[pl.ds(blk0, half)], dst_v)

    stage(wid * BLKS_PER_W)
    gather(0, rows_a, sem_ga)
    gather(1, rows_b, sem_gb)
    pltpu.sync_copy(zeros_hbm.at[pl.ds(sid * ROWS_PER_TILE, ROWS_PER_TILE)],
                    acc_sh.at[pl.ds(sid * ROWS_PER_TILE, ROWS_PER_TILE)])
    plsc.subcore_barrier()

    def body(i, carry):
        j = i * 2
        pltpu.make_async_copy(t2_hbm.at[gidx_v.at[j]], rows_a, sem_ga).wait()
        scatter(j, rows_a, sem_sa)
        pltpu.make_async_copy(t2_hbm.at[gidx_v.at[j + 1]], rows_b,
                              sem_gb).wait()
        scatter(j + 1, rows_b, sem_sb)

        @pl.when(j + 2 < half)
        def _():
            pltpu.make_async_copy(rows_a, acc_sh.at[dst_v.at[j]],
                                  sem_sa).wait()
            gather(j + 2, rows_a, sem_ga)

        @pl.when(j + 3 < half)
        def _():
            pltpu.make_async_copy(rows_b, acc_sh.at[dst_v.at[j + 1]],
                                  sem_sb).wait()
            gather(j + 3, rows_b, sem_gb)

        return carry

    def drain_and_reload(p):
        pltpu.make_async_copy(rows_a, acc_sh.at[dst_v.at[0]], sem_sa).wait()
        pltpu.make_async_copy(rows_b, acc_sh.at[dst_v.at[1]], sem_sb).wait()
        if p is not None:
            stage(wid * BLKS_PER_W + p * half)
            gather(0, rows_a, sem_ga)
            gather(1, rows_b, sem_gb)

    lax.fori_loop(0, half // 2, body, 0)
    drain_and_reload(1)
    lax.fori_loop(0, half // 2, body, 0)
    drain_and_reload(None)
    plsc.subcore_barrier()
    pltpu.sync_copy(acc_sh.at[pl.ds(sid * ROWS_PER_TILE, ROWS_PER_TILE)],
                    out_hbm.at[cid, pl.ds(sid * ROWS_PER_TILE, ROWS_PER_TILE)])



def _reduce_body(a_ref, o_ref):
    s = a_ref[0] + a_ref[1]
    o_ref[...] = (s[:, 0:EMB] + s[:, EMB:2 * EMB] + s[:, 2 * EMB:3 * EMB])


_reduce_call = pl.pallas_call(
    _reduce_body,
    grid=(RED_GRID,),
    in_specs=[pl.BlockSpec((2, RED_BLK, D_FEAT), lambda i: (0, i, 0))],
    out_specs=pl.BlockSpec((RED_BLK, EMB), lambda i: (i, 0)),
    out_shape=jax.ShapeDtypeStruct((ACC_ROWS, EMB), jnp.float32),
)



def _readout_body(h0_ref, agg_ref, qs_ref, nt_ref, gid_ref, o_ref):
    h = h0_ref[...] + agg_ref[:N_NODES, :]
    w = jnp.maximum(h, 0.0)
    coef = (qs_ref[...] + 1.0) * (nt_ref[...] == 0).astype(jnp.float32)
    gid = gid_ref[...]
    iota = lax.broadcasted_iota(jnp.int32, (N_GRAPHS, N_NODES), 0)
    a = jnp.where(gid == iota, coef, 0.0)
    o_ref[...] = jnp.dot(a, w, preferred_element_type=jnp.float32)


_readout_call = pl.pallas_call(
    _readout_body,
    grid=(1,),
    in_specs=[
        pl.BlockSpec((N_NODES, EMB), lambda i: (0, 0)),
        pl.BlockSpec((ACC_ROWS, EMB), lambda i: (0, 0)),
        pl.BlockSpec((1, N_NODES), lambda i: (0, 0)),
        pl.BlockSpec((1, N_NODES), lambda i: (0, 0)),
        pl.BlockSpec((1, N_NODES), lambda i: (0, 0)),
    ],
    out_specs=pl.BlockSpec((N_GRAPHS, EMB), lambda i: (0, 0)),
    out_shape=jax.ShapeDtypeStruct((N_GRAPHS, EMB), jnp.float32),
)


def kernel(node_feature, qs, W_rel, W_self, edge_index, edge_type,
           node_type, graph_ids):
    src = edge_index[0].astype(jnp.int32)
    dst = edge_index[1].astype(jnp.int32)
    et = edge_type.astype(jnp.int32)
    pad = E_PAD - src.shape[0]
    ar = jnp.arange(pad, dtype=jnp.int32)
    src_p = jnp.concatenate(
        [src, ar % N_NODES]).reshape(N_EDGE_ROWS, EDGE_BLK)
    et_p = jnp.concatenate(
        [et, jnp.zeros((pad,), jnp.int32)]).reshape(N_EDGE_ROWS, EDGE_BLK)
    dst_p = jnp.concatenate(
        [dst, N_NODES + ar % (ACC_ROWS - N_NODES)]
    ).reshape(N_EDGE_ROWS, EDGE_BLK)
    w_cat = jnp.concatenate([W_rel[0], W_rel[1], W_rel[2], W_self], axis=1)

    h0, t2, gidx = _mm_call(node_feature, w_cat, src_p, et_p)
    zeros = jnp.zeros((ACC_ROWS, D_FEAT), jnp.float32)
    acc = _edge_agg_call()(t2, gidx, dst_p, zeros)
    agg = _reduce_call(acc)
    q_tot = _readout_call(
        h0, agg,
        qs.reshape(1, N_NODES),
        node_type.astype(jnp.int32).reshape(1, N_NODES),
        graph_ids.astype(jnp.int32).reshape(1, N_NODES),
    )
    return q_tot

# --- scband reference (transcript-rebuilt; emitter-appended) ---
"""Pipeline reference for scband-qmixer-68667937128945 (READ-ONLY COPY).

The authoritative reference and input builder live on the scoring server;
editing this copy changes nothing except your own understanding.
"""

import jax, jax.numpy as jnp
import numpy as np

N_NODES = 10000
N_EDGES = 320000
D_FEAT = 128
EMB_DIM = 32
N_REL = 3
N_GRAPHS = 64
NODE_ALLY = 0


def setup_inputs(seed: int = 0) -> dict:
    key = jax.random.key(seed)
    ks = jax.random.split(key, 8)
    node_feature = jax.random.normal(ks[0], (N_NODES, D_FEAT), dtype=jnp.float32)
    qs = jax.random.normal(ks[1], (N_NODES,), dtype=jnp.float32)
    edge_index = jax.random.randint(ks[2], (2, N_EDGES), 0, N_NODES)
    edge_type = jax.random.randint(ks[3], (N_EDGES,), 0, N_REL)
    node_type = jax.random.randint(ks[4], (N_NODES,), 0, 2)
    graph_ids = jnp.sort(jax.random.randint(ks[5], (N_NODES,), 0, N_GRAPHS))
    # learned parameters of the RelationalGraphNetwork hypernetwork (hyper_w)
    W_rel = jax.random.normal(ks[6], (N_REL, D_FEAT, EMB_DIM), dtype=jnp.float32) * 0.05
    W_self = jax.random.normal(ks[7], (D_FEAT, EMB_DIM), dtype=jnp.float32) * 0.05
    return {
        "node_feature": node_feature,
        "qs": qs,
        "W_rel": W_rel,
        "W_self": W_self,
        "edge_index": edge_index,
        "edge_type": edge_type,
        "node_type": node_type,
        "graph_ids": graph_ids,
    }


def _rgcn(x, W_rel, W_self, src, dst, edge_type, n_nodes):
    # relational message passing: gather source features, relation-masked
    # scatter-add to destination nodes, per-relation linear transform + self loop
    msg = x[src]
    h = x @ W_self
    for r in range(W_rel.shape[0]):
        mask = (edge_type == r).astype(x.dtype)
        agg = jax.ops.segment_sum(msg * mask[:, None], dst, num_segments=n_nodes)
        h = h + agg @ W_rel[r]
    return jax.nn.relu(h)


def reference(node_feature, qs, W_rel, W_self, edge_index, edge_type, node_type, graph_ids):
    src = edge_index[0]
    dst = edge_index[1]
    n_nodes = node_feature.shape[0]
    # w = self.hyper_w(graph, node_feature)
    w = _rgcn(node_feature, W_rel, W_self, src, dst, edge_type, n_nodes)
    # NOTE: original code also computes v via self.hyper_w (same weights)
    v = _rgcn(node_feature, W_rel, W_self, src, dst, edge_type, n_nodes)
    # get_filtered_node_index_by_type(graph, NODE_ALLY)
    ally_mask = (node_type == NODE_ALLY).astype(w.dtype)
    # graph.ndata['node_feature'] = w * qs ; dgl.sum_nodes over the batched graph
    q_sum = jax.ops.segment_sum(w * qs[:, None] * ally_mask[:, None], graph_ids, num_segments=N_GRAPHS)
    v_sum = jax.ops.segment_sum(v * ally_mask[:, None], graph_ids, num_segments=N_GRAPHS)
    q_tot = q_sum + v_sum
    return q_tot

if __name__ == "__main__":
    import jax
    _d = setup_inputs()
    print(jax.jit(kernel)(*tuple(_d.values())))

</pallas_src>

<mosaic_0001>
#map = affine_map<(d0, d1) -> (0, 0)>
#map1 = affine_map<(d0, d1) -> (0, 0, 0)>
module attributes {stable_mosaic.version = 14 : i64} {
  func.func @_edge_agg(%arg0: i32, %arg1: i32, %arg2: memref<30000x128xf32, #tpu.memory_space<hbm>>, %arg3: memref<2560x128xi32, #tpu.memory_space<hbm>>, %arg4: memref<2560x128xi32, #tpu.memory_space<hbm>>, %arg5: memref<10112x128xf32, #tpu.memory_space<hbm>>, %arg6: memref<2x10112x128xf32, #tpu.memory_space<hbm>>, %arg7: memref<40x128xi32, #tpu.memory_space<vmem>>, %arg8: memref<40x128xi32, #tpu.memory_space<vmem>>, %arg9: memref<128x128xf32, #tpu.memory_space<vmem>>, %arg10: memref<128x128xf32, #tpu.memory_space<vmem>>, %arg11: memref<10112x128xf32, #tpu.memory_space<vmem_shared>>, %arg12: memref<!tpu.dma_semaphore, #tpu.memory_space<semaphore_mem>>, %arg13: memref<!tpu.dma_semaphore, #tpu.memory_space<semaphore_mem>>, %arg14: memref<!tpu.dma_semaphore, #tpu.memory_space<semaphore_mem>>, %arg15: memref<!tpu.dma_semaphore, #tpu.memory_space<semaphore_mem>>) attributes {dimension_semantics = [#tpu.dimension_semantics<core_parallel>, #tpu.dimension_semantics<subcore_parallel>], iteration_bounds = array<i64: 2, 16>, scalar_prefetch = 0 : i64, scratch_operands = 9 : i64, tpu.core_type = #tpu.core_type<sc_vector_subcore>, window_params = [{transform_indices = #map}, {transform_indices = #map}, {transform_indices = #map}, {transform_indices = #map}, {transform_indices = #map1}]} {
    %mul3A = arith.constant 16 : i32
    %mul3A_0 = arith.muli %arg0, %mul3A : i32
    %add3A = arith.addi %mul3A_0, %arg1 : i32
    %mul3A_1 = arith.constant 80 : i32
    %mul3A_2 = arith.muli %add3A, %mul3A_1 : i32
    "tpu.region"() ({
      %run_scoped3A = tpu.sem_alloc : memref<!tpu.dma_semaphore, #tpu.memory_space<semaphore_mem>>
      %dma_start3A_81 = arith.constant 0 : i32
      %dma_start3A_82 = tpu.memref_slice %arg3[%mul3A_2, %dma_start3A_81] : memref<2560x128xi32, #tpu.memory_space<hbm>> -> memref<40x128xi32, #tpu.memory_space<hbm>>
      %dma_start3A_83 = arith.constant 0 : i32
      %dma_start3A_84 = tpu.memref_slice %arg3[%mul3A_2, %dma_start3A_83] : memref<2560x128xi32, #tpu.memory_space<hbm>> -> memref<40x128xi32, #tpu.memory_space<hbm>>
      tpu.enqueue_dma source(%dma_start3A_84 : memref<40x128xi32, #tpu.memory_space<hbm>>) target(%arg7 : memref<40x128xi32, #tpu.memory_space<vmem>>) target_semaphore(%run_scoped3A : memref<!tpu.dma_semaphore, #tpu.memory_space<semaphore_mem>>)
      %dma_wait3A_85 = arith.constant 0 : i32
      %dma_wait3A_86 = tpu.memref_slice %arg3[%mul3A_2, %dma_wait3A_85] : memref<2560x128xi32, #tpu.memory_space<hbm>> -> memref<40x128xi32, #tpu.memory_space<hbm>>
      %dma_wait3A_87 = arith.constant 0 : i32
      %dma_wait3A_88 = tpu.memref_slice %arg3[%mul3A_2, %dma_wait3A_87] : memref<2560x128xi32, #tpu.memory_space<hbm>> -> memref<40x128xi32, #tpu.memory_space<hbm>>
      tpu.wait_dma2 semaphore(%run_scoped3A : memref<!tpu.dma_semaphore, #tpu.memory_space<semaphore_mem>>) src(%dma_wait3A_88 : memref<40x128xi32, #tpu.memory_space<hbm>>) dst(%arg7 : memref<40x128xi32, #tpu.memory_space<vmem>>)
      tpu.yield
    }) : () -> ()
    "tpu.region"() ({
      %run_scoped3A = tpu.sem_alloc : memref<!tpu.dma_semaphore, #tpu.memory_space<semaphore_mem>>
      %dma_start3A_81 = arith.constant 0 : i32
      %dma_start3A_82 = tpu.memref_slice %arg4[%mul3A_2, %dma_start3A_81] : memref<2560x128xi32, #tpu.memory_space<hbm>> -> memref<40x128xi32, #tpu.memory_space<hbm>>
      %dma_start3A_83 = arith.constant 0 : i32
      %dma_start3A_84 = tpu.memref_slice %arg4[%mul3A_2, %dma_start3A_83] : memref<2560x128xi32, #tpu.memory_space<hbm>> -> memref<40x128xi32, #tpu.memory_space<hbm>>
      tpu.enqueue_dma source(%dma_start3A_84 : memref<40x128xi32, #tpu.memory_space<hbm>>) target(%arg8 : memref<40x128xi32, #tpu.memory_space<vmem>>) target_semaphore(%run_scoped3A : memref<!tpu.dma_semaphore, #tpu.memory_space<semaphore_mem>>)
      %dma_wait3A_85 = arith.constant 0 : i32
      %dma_wait3A_86 = tpu.memref_slice %arg4[%mul3A_2, %dma_wait3A_85] : memref<2560x128xi32, #tpu.memory_space<hbm>> -> memref<40x128xi32, #tpu.memory_space<hbm>>
      %dma_wait3A_87 = arith.constant 0 : i32
      %dma_wait3A_88 = tpu.memref_slice %arg4[%mul3A_2, %dma_wait3A_87] : memref<2560x128xi32, #tpu.memory_space<hbm>> -> memref<40x128xi32, #tpu.memory_space<hbm>>
      tpu.wait_dma2 semaphore(%run_scoped3A : memref<!tpu.dma_semaphore, #tpu.memory_space<semaphore_mem>>) src(%dma_wait3A_88 : memref<40x128xi32, #tpu.memory_space<hbm>>) dst(%arg8 : memref<40x128xi32, #tpu.memory_space<vmem>>)
      tpu.yield
    }) : () -> ()
    %dma_start3A = arith.constant 0 : i32
    %dma_start3A_3 = arith.constant 0 : i32
    %dma_start3A_4 = tpu.memref_slice %arg7[%dma_start3A, %dma_start3A_3] : memref<40x128xi32, #tpu.memory_space<vmem>> -> memref<1x128xi32, #tpu.memory_space<vmem>>
    %dma_start3A_5 = tpu.memref_squeeze %dma_start3A_4 : memref<1x128xi32, #tpu.memory_space<vmem>> -> memref<128xi32, #tpu.memory_space<vmem>>
    %dma_start3A_6 = arith.constant 0 : i32
    %dma_start3A_7 = arith.constant 0 : i32
    %dma_start3A_8 = tpu.memref_slice %arg2[%dma_start3A_6, %dma_start3A_7] : memref<30000x128xf32, #tpu.memory_space<hbm>> -> memref<30000x128xf32, #tpu.memory_space<hbm>>
    tpu.enqueue_indirect_dma source(%dma_start3A_8 : memref<30000x128xf32, #tpu.memory_space<hbm>>) target(%arg9 : memref<128x128xf32, #tpu.memory_space<vmem>>) offsets(%dma_start3A_5 : memref<128xi32, #tpu.memory_space<vmem>>) semaphore(%arg12 : memref<!tpu.dma_semaphore, #tpu.memory_space<semaphore_mem>>)
    %dma_start3A_9 = arith.constant 1 : i32
    %dma_start3A_10 = arith.constant 0 : i32
    %dma_start3A_11 = tpu.memref_slice %arg7[%dma_start3A_9, %dma_start3A_10] : memref<40x128xi32, #tpu.memory_space<vmem>> -> memref<1x128xi32, #tpu.memory_space<vmem>>
    %dma_start3A_12 = tpu.memref_squeeze %dma_start3A_11 : memref<1x128xi32, #tpu.memory_space<vmem>> -> memref<128xi32, #tpu.memory_space<vmem>>
    %dma_start3A_13 = arith.constant 0 : i32
    %dma_start3A_14 = arith.constant 0 : i32
    %dma_start3A_15 = tpu.memref_slice %arg2[%dma_start3A_13, %dma_start3A_14] : memref<30000x128xf32, #tpu.memory_space<hbm>> -> memref<30000x128xf32, #tpu.memory_space<hbm>>
    tpu.enqueue_indirect_dma source(%dma_start3A_15 : memref<30000x128xf32, #tpu.memory_space<hbm>>) target(%arg10 : memref<128x128xf32, #tpu.memory_space<vmem>>) offsets(%dma_start3A_12 : memref<128xi32, #tpu.memory_space<vmem>>) semaphore(%arg13 : memref<!tpu.dma_semaphore, #tpu.memory_space<semaphore_mem>>)
    %mul3A_16 = arith.constant 632 : i32
    %mul3A_17 = arith.muli %arg1, %mul3A_16 : i32
    %mul3A_18 = arith.constant 632 : i32
    %mul3A_19 = arith.muli %arg1, %mul3A_18 : i32
    "tpu.region"() ({
      %run_scoped3A = tpu.sem_alloc : memref<!tpu.dma_semaphore, #tpu.memory_space<semaphore_mem>>
      %dma_start3A_81 = arith.constant 0 : i32
      %dma_start3A_82 = tpu.memref_slice %arg11[%mul3A_19, %dma_start3A_81] : memref<10112x128xf32, #tpu.memory_space<vmem_shared>> -> memref<632x128xf32, #tpu.memory_space<vmem_shared>>
      %dma_start3A_83 = arith.constant 0 : i32
      %dma_start3A_84 = tpu.memref_slice %arg5[%mul3A_17, %dma_start3A_83] : memref<10112x128xf32, #tpu.memory_space<hbm>> -> memref<632x128xf32, #tpu.memory_space<hbm>>
      tpu.enqueue_dma source(%dma_start3A_84 : memref<632x128xf32, #tpu.memory_space<hbm>>) target(%dma_start3A_82 : memref<632x128xf32, #tpu.memory_space<vmem_shared>>) target_semaphore(%run_scoped3A : memref<!tpu.dma_semaphore, #tpu.memory_space<semaphore_mem>>)
      %dma_wait3A_85 = arith.constant 0 : i32
      %dma_wait3A_86 = tpu.memref_slice %arg11[%mul3A_19, %dma_wait3A_85] : memref<10112x128xf32, #tpu.memory_space<vmem_shared>> -> memref<632x128xf32, #tpu.memory_space<vmem_shared>>
      %dma_wait3A_87 = arith.constant 0 : i32
      %dma_wait3A_88 = tpu.memref_slice %arg5[%mul3A_17, %dma_wait3A_87] : memref<10112x128xf32, #tpu.memory_space<hbm>> -> memref<632x128xf32, #tpu.memory_space<hbm>>
      tpu.wait_dma2 semaphore(%run_scoped3A : memref<!tpu.dma_semaphore, #tpu.memory_space<semaphore_mem>>) src(%dma_wait3A_88 : memref<632x128xf32, #tpu.memory_space<hbm>>) dst(%dma_wait3A_86 : memref<632x128xf32, #tpu.memory_space<vmem_shared>>)
      tpu.yield
    }) : () -> ()
    %barrier3A = arith.constant 0 : index
    tpu.barrier barrier_id(%barrier3A)
    %scan3A = arith.constant 0 : i32
    %scan3A_20 = arith.constant 0 : i32
    %scan3A_21 = arith.constant 20 : i32
    %scan3A_22 = arith.addi %scan3A_20, %scan3A_21 : i32
    %scan3A_23 = arith.constant 1 : i32
    scf.for %scan3A_81 = %scan3A_20 to %scan3A_22 step %scan3A_23  : i32 {
      %mul3A_82 = arith.constant 2 : i32
      %mul3A_83 = arith.muli %scan3A_81, %mul3A_82 : i32
      %dma_wait3A_84 = arith.constant 0 : i32
      %dma_wait3A_85 = tpu.memref_slice %arg7[%mul3A_83, %dma_wait3A_84] : memref<40x128xi32, #tpu.memory_space<vmem>> -> memref<1x128xi32, #tpu.memory_space<vmem>>
      %dma_wait3A_86 = tpu.memref_squeeze %dma_wait3A_85 : memref<1x128xi32, #tpu.memory_space<vmem>> -> memref<128xi32, #tpu.memory_space<vmem>>
      %dma_wait3A_87 = arith.constant 0 : i32
      %dma_wait3A_88 = arith.constant 0 : i32
      %dma_wait3A_89 = tpu.memref_slice %arg2[%dma_wait3A_87, %dma_wait3A_88] : memref<30000x128xf32, #tpu.memory_space<hbm>> -> memref<30000x128xf32, #tpu.memory_space<hbm>>
      tpu.wait_indirect_dma semaphore(%arg12 : memref<!tpu.dma_semaphore, #tpu.memory_space<semaphore_mem>>) src(%dma_wait3A_89 : memref<30000x128xf32, #tpu.memory_space<hbm>>) dst(%arg9 : memref<128x128xf32, #tpu.memory_space<vmem>>)
      %dma_start3A_90 = arith.constant 0 : i32
      %dma_start3A_91 = tpu.memref_slice %arg8[%mul3A_83, %dma_start3A_90] : memref<40x128xi32, #tpu.memory_space<vmem>> -> memref<1x128xi32, #tpu.memory_space<vmem>>
      %dma_start3A_92 = tpu.memref_squeeze %dma_start3A_91 : memref<1x128xi32, #tpu.memory_space<vmem>> -> memref<128xi32, #tpu.memory_space<vmem>>
      %dma_start3A_93 = arith.constant 0 : i32
      %dma_start3A_94 = arith.constant 0 : i32
      %dma_start3A_95 = tpu.memref_slice %arg11[%dma_start3A_93, %dma_start3A_94] : memref<10112x128xf32, #tpu.memory_space<vmem_shared>> -> memref<10112x128xf32, #tpu.memory_space<vmem_shared>>
      tpu.enqueue_indirect_dma source(%arg9 : memref<128x128xf32, #tpu.memory_space<vmem>>) target(%dma_start3A_95 : memref<10112x128xf32, #tpu.memory_space<vmem_shared>>) offsets(%dma_start3A_92 : memref<128xi32, #tpu.memory_space<vmem>>) semaphore(%arg14 : memref<!tpu.dma_semaphore, #tpu.memory_space<semaphore_mem>>) {add = true}
      %add3A_96 = arith.constant 1 : i32
      %add3A_97 = arith.addi %mul3A_83, %add3A_96 : i32
      %dma_wait3A_98 = arith.constant 0 : i32
      %dma_wait3A_99 = tpu.memref_slice %arg7[%add3A_97, %dma_wait3A_98] : memref<40x128xi32, #tpu.memory_space<vmem>> -> memref<1x128xi32, #tpu.memory_space<vmem>>
      %dma_wait3A_100 = tpu.memref_squeeze %dma_wait3A_99 : memref<1x128xi32, #tpu.memory_space<vmem>> -> memref<128xi32, #tpu.memory_space<vmem>>
      %dma_wait3A_101 = arith.constant 0 : i32
      %dma_wait3A_102 = arith.constant 0 : i32
      %dma_wait3A_103 = tpu.memref_slice %arg2[%dma_wait3A_101, %dma_wait3A_102] : memref<30000x128xf32, #tpu.memory_space<hbm>> -> memref<30000x128xf32, #tpu.memory_space<hbm>>
      tpu.wait_indirect_dma semaphore(%arg13 : memref<!tpu.dma_semaphore, #tpu.memory_space<semaphore_mem>>) src(%dma_wait3A_103 : memref<30000x128xf32, #tpu.memory_space<hbm>>) dst(%arg10 : memref<128x128xf32, #tpu.memory_space<vmem>>)
      %add3A_104 = arith.constant 1 : i32
      %add3A_105 = arith.addi %mul3A_83, %add3A_104 : i32
      %dma_start3A_106 = arith.constant 0 : i32
      %dma_start3A_107 = tpu.memref_slice %arg8[%add3A_105, %dma_start3A_106] : memref<40x128xi32, #tpu.memory_space<vmem>> -> memref<1x128xi32, #tpu.memory_space<vmem>>
      %dma_start3A_108 = tpu.memref_squeeze %dma_start3A_107 : memref<1x128xi32, #tpu.memory_space<vmem>> -> memref<128xi32, #tpu.memory_space<vmem>>
      %dma_start3A_109 = arith.constant 0 : i32
      %dma_start3A_110 = arith.constant 0 : i32
      %dma_start3A_111 = tpu.memref_slice %arg11[%dma_start3A_109, %dma_start3A_110] : memref<10112x128xf32, #tpu.memory_space<vmem_shared>> -> memref<10112x128xf32, #tpu.memory_space<vmem_shared>>
      tpu.enqueue_indirect_dma source(%arg10 : memref<128x128xf32, #tpu.memory_space<vmem>>) target(%dma_start3A_111 : memref<10112x128xf32, #tpu.memory_space<vmem_shared>>) offsets(%dma_start3A_108 : memref<128xi32, #tpu.memory_space<vmem>>) semaphore(%arg15 : memref<!tpu.dma_semaphore, #tpu.memory_space<semaphore_mem>>) {add = true}
      %add3A_112 = arith.constant 2 : i32
      %add3A_113 = arith.addi %mul3A_83, %add3A_112 : i32
      %lt3A = arith.constant 40 : i32
      %lt3A_114 = arith.cmpi slt, %add3A_113, %lt3A : i32
      %convert_element_type3A = arith.extui %lt3A_114 : i1 to i32
      %cond3A = arith.constant 0 : i32
      %cond3A_115 = arith.cmpi ne, %convert_element_type3A, %cond3A : i32
      scf.if %cond3A_115 {
        %dma_wait3A_123 = arith.constant 0 : i32
        %dma_wait3A_124 = tpu.memref_slice %arg8[%mul3A_83, %dma_wait3A_123] : memref<40x128xi32, #tpu.memory_space<vmem>> -> memref<1x128xi32, #tpu.memory_space<vmem>>
        %dma_wait3A_125 = tpu.memref_squeeze %dma_wait3A_124 : memref<1x128xi32, #tpu.memory_space<vmem>> -> memref<128xi32, #tpu.memory_space<vmem>>
        %dma_wait3A_126 = arith.constant 0 : i32
        %dma_wait3A_127 = arith.constant 0 : i32
        %dma_wait3A_128 = tpu.memref_slice %arg11[%dma_wait3A_126, %dma_wait3A_127] : memref<10112x128xf32, #tpu.memory_space<vmem_shared>> -> memref<10112x128xf32, #tpu.memory_space<vmem_shared>>
        tpu.wait_indirect_dma semaphore(%arg14 : memref<!tpu.dma_semaphore, #tpu.memory_space<semaphore_mem>>) src(%arg9 : memref<128x128xf32, #tpu.memory_space<vmem>>) dst(%dma_wait3A_128 : memref<10112x128xf32, #tpu.memory_space<vmem_shared>>)
        %add3A_129 = arith.constant 2 : i32
        %add3A_130 = arith.addi %mul3A_83, %add3A_129 : i32
        %dma_start3A_131 = arith.constant 0 : i32
        %dma_start3A_132 = tpu.memref_slice %arg7[%add3A_130, %dma_start3A_131] : memref<40x128xi32, #tpu.memory_space<vmem>> -> memref<1x128xi32, #tpu.memory_space<vmem>>
        %dma_start3A_133 = tpu.memref_squeeze %dma_start3A_132 : memref<1x128xi32, #tpu.memory_space<vmem>> -> memref<128xi32, #tpu.memory_space<vmem>>
        %dma_start3A_134 = arith.constant 0 : i32
        %dma_start3A_135 = arith.constant 0 : i32
        %dma_start3A_136 = tpu.memref_slice %arg2[%dma_start3A_134, %dma_start3A_135] : memref<30000x128xf32, #tpu.memory_space<hbm>> -> memref<30000x128xf32, #tpu.memory_space<hbm>>
        tpu.enqueue_indirect_dma source(%dma_start3A_136 : memref<30000x128xf32, #tpu.memory_space<hbm>>) target(%arg9 : memref<128x128xf32, #tpu.memory_space<vmem>>) offsets(%dma_start3A_133 : memref<128xi32, #tpu.memory_space<vmem>>) semaphore(%arg12 : memref<!tpu.dma_semaphore, #tpu.memory_space<semaphore_mem>>)
      } else {
      }
      %add3A_116 = arith.constant 3 : i32
      %add3A_117 = arith.addi %mul3A_83, %add3A_116 : i32
      %lt3A_118 = arith.constant 40 : i32
      %lt3A_119 = arith.cmpi slt, %add3A_117, %lt3A_118 : i32
      %convert_element_type3A_120 = arith.extui %lt3A_119 : i1 to i32
      %cond3A_121 = arith.constant 0 : i32
      %cond3A_122 = arith.cmpi ne, %convert_element_type3A_120, %cond3A_121 : i32
      scf.if %cond3A_122 {
        %add3A_123 = arith.constant 1 : i32
        %add3A_124 = arith.addi %mul3A_83, %add3A_123 : i32
        %dma_wait3A_125 = arith.constant 0 : i32
        %dma_wait3A_126 = tpu.memref_slice %arg8[%add3A_124, %dma_wait3A_125] : memref<40x128xi32, #tpu.memory_space<vmem>> -> memref<1x128xi32, #tpu.memory_space<vmem>>
        %dma_wait3A_127 = tpu.memref_squeeze %dma_wait3A_126 : memref<1x128xi32, #tpu.memory_space<vmem>> -> memref<128xi32, #tpu.memory_space<vmem>>
        %dma_wait3A_128 = arith.constant 0 : i32
        %dma_wait3A_129 = arith.constant 0 : i32
        %dma_wait3A_130 = tpu.memref_slice %arg11[%dma_wait3A_128, %dma_wait3A_129] : memref<10112x128xf32, #tpu.memory_space<vmem_shared>> -> memref<10112x128xf32, #tpu.memory_space<vmem_shared>>
        tpu.wait_indirect_dma semaphore(%arg15 : memref<!tpu.dma_semaphore, #tpu.memory_space<semaphore_mem>>) src(%arg10 : memref<128x128xf32, #tpu.memory_space<vmem>>) dst(%dma_wait3A_130 : memref<10112x128xf32, #tpu.memory_space<vmem_shared>>)
        %add3A_131 = arith.constant 3 : i32
        %add3A_132 = arith.addi %mul3A_83, %add3A_131 : i32
        %dma_start3A_133 = arith.constant 0 : i32
        %dma_start3A_134 = tpu.memref_slice %arg7[%add3A_132, %dma_start3A_133] : memref<40x128xi32, #tpu.memory_space<vmem>> -> memref<1x128xi32, #tpu.memory_space<vmem>>
        %dma_start3A_135 = tpu.memref_squeeze %dma_start3A_134 : memref<1x128xi32, #tpu.memory_space<vmem>> -> memref<128xi32, #tpu.memory_space<vmem>>
        %dma_start3A_136 = arith.constant 0 : i32
        %dma_start3A_137 = arith.constant 0 : i32
        %dma_start3A_138 = tpu.memref_slice %arg2[%dma_start3A_136, %dma_start3A_137] : memref<30000x128xf32, #tpu.memory_space<hbm>> -> memref<30000x128xf32, #tpu.memory_space<hbm>>
        tpu.enqueue_indirect_dma source(%dma_start3A_138 : memref<30000x128xf32, #tpu.memory_space<hbm>>) target(%arg10 : memref<128x128xf32, #tpu.memory_space<vmem>>) offsets(%dma_start3A_135 : memref<128xi32, #tpu.memory_space<vmem>>) semaphore(%arg13 : memref<!tpu.dma_semaphore, #tpu.memory_space<semaphore_mem>>)
      } else {
      }
    }
    %scan3A_24 = arith.constant 20 : i32
    %dma_wait3A = arith.constant 0 : i32
    %dma_wait3A_25 = arith.constant 0 : i32
    %dma_wait3A_26 = tpu.memref_slice %arg8[%dma_wait3A, %dma_wait3A_25] : memref<40x128xi32, #tpu.memory_space<vmem>> -> memref<1x128xi32, #tpu.memory_space<vmem>>
    %dma_wait3A_27 = tpu.memref_squeeze %dma_wait3A_26 : memref<1x128xi32, #tpu.memory_space<vmem>> -> memref<128xi32, #tpu.memory_space<vmem>>
    %dma_wait3A_28 = arith.constant 0 : i32
    %dma_wait3A_29 = arith.constant 0 : i32
    %dma_wait3A_30 = tpu.memref_slice %arg11[%dma_wait3A_28, %dma_wait3A_29] : memref<10112x128xf32, #tpu.memory_space<vmem_shared>> -> memref<10112x128xf32, #tpu.memory_space<vmem_shared>>
    tpu.wait_indirect_dma semaphore(%arg14 : memref<!tpu.dma_semaphore, #tpu.memory_space<semaphore_mem>>) src(%arg9 : memref<128x128xf32, #tpu.memory_space<vmem>>) dst(%dma_wait3A_30 : memref<10112x128xf32, #tpu.memory_space<vmem_shared>>)
    %dma_wait3A_31 = arith.constant 1 : i32
    %dma_wait3A_32 = arith.constant 0 : i32
    %dma_wait3A_33 = tpu.memref_slice %arg8[%dma_wait3A_31, %dma_wait3A_32] : memref<40x128xi32, #tpu.memory_space<vmem>> -> memref<1x128xi32, #tpu.memory_space<vmem>>
    %dma_wait3A_34 = tpu.memref_squeeze %dma_wait3A_33 : memref<1x128xi32, #tpu.memory_space<vmem>> -> memref<128xi32, #tpu.memory_space<vmem>>
    %dma_wait3A_35 = arith.constant 0 : i32
    %dma_wait3A_36 = arith.constant 0 : i32
    %dma_wait3A_37 = tpu.memref_slice %arg11[%dma_wait3A_35, %dma_wait3A_36] : memref<10112x128xf32, #tpu.memory_space<vmem_shared>> -> memref<10112x128xf32, #tpu.memory_space<vmem_shared>>
    tpu.wait_indirect_dma semaphore(%arg15 : memref<!tpu.dma_semaphore, #tpu.memory_space<semaphore_mem>>) src(%arg10 : memref<128x128xf32, #tpu.memory_space<vmem>>) dst(%dma_wait3A_37 : memref<10112x128xf32, #tpu.memory_space<vmem_shared>>)
    %mul3A_38 = arith.constant 80 : i32
    %mul3A_39 = arith.muli %add3A, %mul3A_38 : i32
    %add3A_40 = arith.constant 40 : i32
    %add3A_41 = arith.addi %mul3A_39, %add3A_40 : i32
    "tpu.region"() ({
      %run_scoped3A = tpu.sem_alloc : memref<!tpu.dma_semaphore, #tpu.memory_space<semaphore_mem>>
      %dma_start3A_81 = arith.constant 0 : i32
      %dma_start3A_82 = tpu.memref_slice %arg3[%add3A_41, %dma_start3A_81] : memref<2560x128xi32, #tpu.memory_space<hbm>> -> memref<40x128xi32, #tpu.memory_space<hbm>>
      %dma_start3A_83 = arith.constant 0 : i32
      %dma_start3A_84 = tpu.memref_slice %arg3[%add3A_41, %dma_start3A_83] : memref<2560x128xi32, #tpu.memory_space<hbm>> -> memref<40x128xi32, #tpu.memory_space<hbm>>
      tpu.enqueue_dma source(%dma_start3A_84 : memref<40x128xi32, #tpu.memory_space<hbm>>) target(%arg7 : memref<40x128xi32, #tpu.memory_space<vmem>>) target_semaphore(%run_scoped3A : memref<!tpu.dma_semaphore, #tpu.memory_space<semaphore_mem>>)
      %dma_wait3A_85 = arith.constant 0 : i32
      %dma_wait3A_86 = tpu.memref_slice %arg3[%add3A_41, %dma_wait3A_85] : memref<2560x128xi32, #tpu.memory_space<hbm>> -> memref<40x128xi32, #tpu.memory_space<hbm>>
      %dma_wait3A_87 = arith.constant 0 : i32
      %dma_wait3A_88 = tpu.memref_slice %arg3[%add3A_41, %dma_wait3A_87] : memref<2560x128xi32, #tpu.memory_space<hbm>> -> memref<40x128xi32, #tpu.memory_space<hbm>>
      tpu.wait_dma2 semaphore(%run_scoped3A : memref<!tpu.dma_semaphore, #tpu.memory_space<semaphore_mem>>) src(%dma_wait3A_88 : memref<40x128xi32, #tpu.memory_space<hbm>>) dst(%arg7 : memref<40x128xi32, #tpu.memory_space<vmem>>)
      tpu.yield
    }) : () -> ()
    "tpu.region"() ({
      %run_scoped3A = tpu.sem_alloc : memref<!tpu.dma_semaphore, #tpu.memory_space<semaphore_mem>>
      %dma_start3A_81 = arith.constant 0 : i32
      %dma_start3A_82 = tpu.memref_slice %arg4[%add3A_41, %dma_start3A_81] : memref<2560x128xi32, #tpu.memory_space<hbm>> -> memref<40x128xi32, #tpu.memory_space<hbm>>
      %dma_start3A_83 = arith.constant 0 : i32
      %dma_start3A_84 = tpu.memref_slice %arg4[%add3A_41, %dma_start3A_83] : memref<2560x128xi32, #tpu.memory_space<hbm>> -> memref<40x128xi32, #tpu.memory_space<hbm>>
      tpu.enqueue_dma source(%dma_start3A_84 : memref<40x128xi32, #tpu.memory_space<hbm>>) target(%arg8 : memref<40x128xi32, #tpu.memory_space<vmem>>) target_semaphore(%run_scoped3A : memref<!tpu.dma_semaphore, #tpu.memory_space<semaphore_mem>>)
      %dma_wait3A_85 = arith.constant 0 : i32
      %dma_wait3A_86 = tpu.memref_slice %arg4[%add3A_41, %dma_wait3A_85] : memref<2560x128xi32, #tpu.memory_space<hbm>> -> memref<40x128xi32, #tpu.memory_space<hbm>>
      %dma_wait3A_87 = arith.constant 0 : i32
      %dma_wait3A_88 = tpu.memref_slice %arg4[%add3A_41, %dma_wait3A_87] : memref<2560x128xi32, #tpu.memory_space<hbm>> -> memref<40x128xi32, #tpu.memory_space<hbm>>
      tpu.wait_dma2 semaphore(%run_scoped3A : memref<!tpu.dma_semaphore, #tpu.memory_space<semaphore_mem>>) src(%dma_wait3A_88 : memref<40x128xi32, #tpu.memory_space<hbm>>) dst(%arg8 : memref<40x128xi32, #tpu.memory_space<vmem>>)
      tpu.yield
    }) : () -> ()
    %dma_start3A_42 = arith.constant 0 : i32
    %dma_start3A_43 = arith.constant 0 : i32
    %dma_start3A_44 = tpu.memref_slice %arg7[%dma_start3A_42, %dma_start3A_43] : memref<40x128xi32, #tpu.memory_space<vmem>> -> memref<1x128xi32, #tpu.memory_space<vmem>>
    %dma_start3A_45 = tpu.memref_squeeze %dma_start3A_44 : memref<1x128xi32, #tpu.memory_space<vmem>> -> memref<128xi32, #tpu.memory_space<vmem>>
    %dma_start3A_46 = arith.constant 0 : i32
    %dma_start3A_47 = arith.constant 0 : i32
    %dma_start3A_48 = tpu.memref_slice %arg2[%dma_start3A_46, %dma_start3A_47] : memref<30000x128xf32, #tpu.memory_space<hbm>> -> memref<30000x128xf32, #tpu.memory_space<hbm>>
    tpu.enqueue_indirect_dma source(%dma_start3A_48 : memref<30000x128xf32, #tpu.memory_space<hbm>>) target(%arg9 : memref<128x128xf32, #tpu.memory_space<vmem>>) offsets(%dma_start3A_45 : memref<128xi32, #tpu.memory_space<vmem>>) semaphore(%arg12 : memref<!tpu.dma_semaphore, #tpu.memory_space<semaphore_mem>>)
    %dma_start3A_49 = arith.constant 1 : i32
    %dma_start3A_50 = arith.constant 0 : i32
    %dma_start3A_51 = tpu.memref_slice %arg7[%dma_start3A_49, %dma_start3A_50] : memref<40x128xi32, #tpu.memory_space<vmem>> -> memref<1x128xi32, #tpu.memory_space<vmem>>
    %dma_start3A_52 = tpu.memref_squeeze %dma_start3A_51 : memref<1x128xi32, #tpu.memory_space<vmem>> -> memref<128xi32, #tpu.memory_space<vmem>>
    %dma_start3A_53 = arith.constant 0 : i32
    %dma_start3A_54 = arith.constant 0 : i32
    %dma_start3A_55 = tpu.memref_slice %arg2[%dma_start3A_53, %dma_start3A_54] : memref<30000x128xf32, #tpu.memory_space<hbm>> -> memref<30000x128xf32, #tpu.memory_space<hbm>>
    tpu.enqueue_indirect_dma source(%dma_start3A_55 : memref<30000x128xf32, #tpu.memory_space<hbm>>) target(%arg10 : memref<128x128xf32, #tpu.memory_space<vmem>>) offsets(%dma_start3A_52 : memref<128xi32, #tpu.memory_space<vmem>>) semaphore(%arg13 : memref<!tpu.dma_semaphore, #tpu.memory_space<semaphore_mem>>)
    %scan3A_56 = arith.constant 0 : i32
    %scan3A_57 = arith.constant 0 : i32
    %scan3A_58 = arith.constant 20 : i32
    %scan3A_59 = arith.addi %scan3A_57, %scan3A_58 : i32
    %scan3A_60 = arith.constant 1 : i32
    scf.for %scan3A_81 = %scan3A_57 to %scan3A_59 step %scan3A_60  : i32 {
      %mul3A_82 = arith.constant 2 : i32
      %mul3A_83 = arith.muli %scan3A_81, %mul3A_82 : i32
      %dma_wait3A_84 = arith.constant 0 : i32
      %dma_wait3A_85 = tpu.memref_slice %arg7[%mul3A_83, %dma_wait3A_84] : memref<40x128xi32, #tpu.memory_space<vmem>> -> memref<1x128xi32, #tpu.memory_space<vmem>>
      %dma_wait3A_86 = tpu.memref_squeeze %dma_wait3A_85 : memref<1x128xi32, #tpu.memory_space<vmem>> -> memref<128xi32, #tpu.memory_space<vmem>>
      %dma_wait3A_87 = arith.constant 0 : i32
      %dma_wait3A_88 = arith.constant 0 : i32
      %dma_wait3A_89 = tpu.memref_slice %arg2[%dma_wait3A_87, %dma_wait3A_88] : memref<30000x128xf32, #tpu.memory_space<hbm>> -> memref<30000x128xf32, #tpu.memory_space<hbm>>
      tpu.wait_indirect_dma semaphore(%arg12 : memref<!tpu.dma_semaphore, #tpu.memory_space<semaphore_mem>>) src(%dma_wait3A_89 : memref<30000x128xf32, #tpu.memory_space<hbm>>) dst(%arg9 : memref<128x128xf32, #tpu.memory_space<vmem>>)
      %dma_start3A_90 = arith.constant 0 : i32
      %dma_start3A_91 = tpu.memref_slice %arg8[%mul3A_83, %dma_start3A_90] : memref<40x128xi32, #tpu.memory_space<vmem>> -> memref<1x128xi32, #tpu.memory_space<vmem>>
      %dma_start3A_92 = tpu.memref_squeeze %dma_start3A_91 : memref<1x128xi32, #tpu.memory_space<vmem>> -> memref<128xi32, #tpu.memory_space<vmem>>
      %dma_start3A_93 = arith.constant 0 : i32
      %dma_start3A_94 = arith.constant 0 : i32
      %dma_start3A_95 = tpu.memref_slice %arg11[%dma_start3A_93, %dma_start3A_94] : memref<10112x128xf32, #tpu.memory_space<vmem_shared>> -> memref<10112x128xf32, #tpu.memory_space<vmem_shared>>
      tpu.enqueue_indirect_dma source(%arg9 : memref<128x128xf32, #tpu.memory_space<vmem>>) target(%dma_start3A_95 : memref<10112x128xf32, #tpu.memory_space<vmem_shared>>) offsets(%dma_start3A_92 : memref<128xi32, #tpu.memory_space<vmem>>) semaphore(%arg14 : memref<!tpu.dma_semaphore, #tpu.memory_space<semaphore_mem>>) {add = true}
      %add3A_96 = arith.constant 1 : i32
      %add3A_97 = arith.addi %mul3A_83, %add3A_96 : i32
      %dma_wait3A_98 = arith.constant 0 : i32
      %dma_wait3A_99 = tpu.memref_slice %arg7[%add3A_97, %dma_wait3A_98] : memref<40x128xi32, #tpu.memory_space<vmem>> -> memref<1x128xi32, #tpu.memory_space<vmem>>
      %dma_wait3A_100 = tpu.memref_squeeze %dma_wait3A_99 : memref<1x128xi32, #tpu.memory_space<vmem>> -> memref<128xi32, #tpu.memory_space<vmem>>
      %dma_wait3A_101 = arith.constant 0 : i32
      %dma_wait3A_102 = arith.constant 0 : i32
      %dma_wait3A_103 = tpu.memref_slice %arg2[%dma_wait3A_101, %dma_wait3A_102] : memref<30000x128xf32, #tpu.memory_space<hbm>> -> memref<30000x128xf32, #tpu.memory_space<hbm>>
      tpu.wait_indirect_dma semaphore(%arg13 : memref<!tpu.dma_semaphore, #tpu.memory_space<semaphore_mem>>) src(%dma_wait3A_103 : memref<30000x128xf32, #tpu.memory_space<hbm>>) dst(%arg10 : memref<128x128xf32, #tpu.memory_space<vmem>>)
      %add3A_104 = arith.constant 1 : i32
      %add3A_105 = arith.addi %mul3A_83, %add3A_104 : i32
      %dma_start3A_106 = arith.constant 0 : i32
      %dma_start3A_107 = tpu.memref_slice %arg8[%add3A_105, %dma_start3A_106] : memref<40x128xi32, #tpu.memory_space<vmem>> -> memref<1x128xi32, #tpu.memory_space<vmem>>
      %dma_start3A_108 = tpu.memref_squeeze %dma_start3A_107 : memref<1x128xi32, #tpu.memory_space<vmem>> -> memref<128xi32, #tpu.memory_space<vmem>>
      %dma_start3A_109 = arith.constant 0 : i32
      %dma_start3A_110 = arith.constant 0 : i32
      %dma_start3A_111 = tpu.memref_slice %arg11[%dma_start3A_109, %dma_start3A_110] : memref<10112x128xf32, #tpu.memory_space<vmem_shared>> -> memref<10112x128xf32, #tpu.memory_space<vmem_shared>>
      tpu.enqueue_indirect_dma source(%arg10 : memref<128x128xf32, #tpu.memory_space<vmem>>) target(%dma_start3A_111 : memref<10112x128xf32, #tpu.memory_space<vmem_shared>>) offsets(%dma_start3A_108 : memref<128xi32, #tpu.memory_space<vmem>>) semaphore(%arg15 : memref<!tpu.dma_semaphore, #tpu.memory_space<semaphore_mem>>) {add = true}
      %add3A_112 = arith.constant 2 : i32
      %add3A_113 = arith.addi %mul3A_83, %add3A_112 : i32
      %lt3A = arith.constant 40 : i32
      %lt3A_114 = arith.cmpi slt, %add3A_113, %lt3A : i32
      %convert_element_type3A = arith.extui %lt3A_114 : i1 to i32
      %cond3A = arith.constant 0 : i32
      %cond3A_115 = arith.cmpi ne, %convert_element_type3A, %cond3A : i32
      scf.if %cond3A_115 {
        %dma_wait3A_123 = arith.constant 0 : i32
        %dma_wait3A_124 = tpu.memref_slice %arg8[%mul3A_83, %dma_wait3A_123] : memref<40x128xi32, #tpu.memory_space<vmem>> -> memref<1x128xi32, #tpu.memory_space<vmem>>
        %dma_wait3A_125 = tpu.memref_squeeze %dma_wait3A_124 : memref<1x128xi32, #tpu.memory_space<vmem>> -> memref<128xi32, #tpu.memory_space<vmem>>
        %dma_wait3A_126 = arith.constant 0 : i32
        %dma_wait3A_127 = arith.constant 0 : i32
        %dma_wait3A_128 = tpu.memref_slice %arg11[%dma_wait3A_126, %dma_wait3A_127] : memref<10112x128xf32, #tpu.memory_space<vmem_shared>> -> memref<10112x128xf32, #tpu.memory_space<vmem_shared>>
        tpu.wait_indirect_dma semaphore(%arg14 : memref<!tpu.dma_semaphore, #tpu.memory_space<semaphore_mem>>) src(%arg9 : memref<128x128xf32, #tpu.memory_space<vmem>>) dst(%dma_wait3A_128 : memref<10112x128xf32, #tpu.memory_space<vmem_shared>>)
        %add3A_129 = arith.constant 2 : i32
        %add3A_130 = arith.addi %mul3A_83, %add3A_129 : i32
        %dma_start3A_131 = arith.constant 0 : i32
        %dma_start3A_132 = tpu.memref_slice %arg7[%add3A_130, %dma_start3A_131] : memref<40x128xi32, #tpu.memory_space<vmem>> -> memref<1x128xi32, #tpu.memory_space<vmem>>
        %dma_start3A_133 = tpu.memref_squeeze %dma_start3A_132 : memref<1x128xi32, #tpu.memory_space<vmem>> -> memref<128xi32, #tpu.memory_space<vmem>>
        %dma_start3A_134 = arith.constant 0 : i32
        %dma_start3A_135 = arith.constant 0 : i32
        %dma_start3A_136 = tpu.memref_slice %arg2[%dma_start3A_134, %dma_start3A_135] : memref<30000x128xf32, #tpu.memory_space<hbm>> -> memref<30000x128xf32, #tpu.memory_space<hbm>>
        tpu.enqueue_indirect_dma source(%dma_start3A_136 : memref<30000x128xf32, #tpu.memory_space<hbm>>) target(%arg9 : memref<128x128xf32, #tpu.memory_space<vmem>>) offsets(%dma_start3A_133 : memref<128xi32, #tpu.memory_space<vmem>>) semaphore(%arg12 : memref<!tpu.dma_semaphore, #tpu.memory_space<semaphore_mem>>)
      } else {
      }
      %add3A_116 = arith.constant 3 : i32
      %add3A_117 = arith.addi %mul3A_83, %add3A_116 : i32
      %lt3A_118 = arith.constant 40 : i32
      %lt3A_119 = arith.cmpi slt, %add3A_117, %lt3A_118 : i32
      %convert_element_type3A_120 = arith.extui %lt3A_119 : i1 to i32
      %cond3A_121 = arith.constant 0 : i32
      %cond3A_122 = arith.cmpi ne, %convert_element_type3A_120, %cond3A_121 : i32
      scf.if %cond3A_122 {
        %add3A_123 = arith.constant 1 : i32
        %add3A_124 = arith.addi %mul3A_83, %add3A_123 : i32
        %dma_wait3A_125 = arith.constant 0 : i32
        %dma_wait3A_126 = tpu.memref_slice %arg8[%add3A_124, %dma_wait3A_125] : memref<40x128xi32, #tpu.memory_space<vmem>> -> memref<1x128xi32, #tpu.memory_space<vmem>>
        %dma_wait3A_127 = tpu.memref_squeeze %dma_wait3A_126 : memref<1x128xi32, #tpu.memory_space<vmem>> -> memref<128xi32, #tpu.memory_space<vmem>>
        %dma_wait3A_128 = arith.constant 0 : i32
        %dma_wait3A_129 = arith.constant 0 : i32
        %dma_wait3A_130 = tpu.memref_slice %arg11[%dma_wait3A_128, %dma_wait3A_129] : memref<10112x128xf32, #tpu.memory_space<vmem_shared>> -> memref<10112x128xf32, #tpu.memory_space<vmem_shared>>
        tpu.wait_indirect_dma semaphore(%arg15 : memref<!tpu.dma_semaphore, #tpu.memory_space<semaphore_mem>>) src(%arg10 : memref<128x128xf32, #tpu.memory_space<vmem>>) dst(%dma_wait3A_130 : memref<10112x128xf32, #tpu.memory_space<vmem_shared>>)
        %add3A_131 = arith.constant 3 : i32
        %add3A_132 = arith.addi %mul3A_83, %add3A_131 : i32
        %dma_start3A_133 = arith.constant 0 : i32
        %dma_start3A_134 = tpu.memref_slice %arg7[%add3A_132, %dma_start3A_133] : memref<40x128xi32, #tpu.memory_space<vmem>> -> memref<1x128xi32, #tpu.memory_space<vmem>>
        %dma_start3A_135 = tpu.memref_squeeze %dma_start3A_134 : memref<1x128xi32, #tpu.memory_space<vmem>> -> memref<128xi32, #tpu.memory_space<vmem>>
        %dma_start3A_136 = arith.constant 0 : i32
        %dma_start3A_137 = arith.constant 0 : i32
        %dma_start3A_138 = tpu.memref_slice %arg2[%dma_start3A_136, %dma_start3A_137] : memref<30000x128xf32, #tpu.memory_space<hbm>> -> memref<30000x128xf32, #tpu.memory_space<hbm>>
        tpu.enqueue_indirect_dma source(%dma_start3A_138 : memref<30000x128xf32, #tpu.memory_space<hbm>>) target(%arg10 : memref<128x128xf32, #tpu.memory_space<vmem>>) offsets(%dma_start3A_135 : memref<128xi32, #tpu.memory_space<vmem>>) semaphore(%arg13 : memref<!tpu.dma_semaphore, #tpu.memory_space<semaphore_mem>>)
      } else {
      }
    }
    %scan3A_61 = arith.constant 20 : i32
    %dma_wait3A_62 = arith.constant 0 : i32
    %dma_wait3A_63 = arith.constant 0 : i32
    %dma_wait3A_64 = tpu.memref_slice %arg8[%dma_wait3A_62, %dma_wait3A_63] : memref<40x128xi32, #tpu.memory_space<vmem>> -> memref<1x128xi32, #tpu.memory_space<vmem>>
    %dma_wait3A_65 = tpu.memref_squeeze %dma_wait3A_64 : memref<1x128xi32, #tpu.memory_space<vmem>> -> memref<128xi32, #tpu.memory_space<vmem>>
    %dma_wait3A_66 = arith.constant 0 : i32
    %dma_wait3A_67 = arith.constant 0 : i32
    %dma_wait3A_68 = tpu.memref_slice %arg11[%dma_wait3A_66, %dma_wait3A_67] : memref<10112x128xf32, #tpu.memory_space<vmem_shared>> -> memref<10112x128xf32, #tpu.memory_space<vmem_shared>>
    tpu.wait_indirect_dma semaphore(%arg14 : memref<!tpu.dma_semaphore, #tpu.memory_space<semaphore_mem>>) src(%arg9 : memref<128x128xf32, #tpu.memory_space<vmem>>) dst(%dma_wait3A_68 : memref<10112x128xf32, #tpu.memory_space<vmem_shared>>)
    %dma_wait3A_69 = arith.constant 1 : i32
    %dma_wait3A_70 = arith.constant 0 : i32
    %dma_wait3A_71 = tpu.memref_slice %arg8[%dma_wait3A_69, %dma_wait3A_70] : memref<40x128xi32, #tpu.memory_space<vmem>> -> memref<1x128xi32, #tpu.memory_space<vmem>>
    %dma_wait3A_72 = tpu.memref_squeeze %dma_wait3A_71 : memref<1x128xi32, #tpu.memory_space<vmem>> -> memref<128xi32, #tpu.memory_space<vmem>>
    %dma_wait3A_73 = arith.constant 0 : i32
    %dma_wait3A_74 = arith.constant 0 : i32
    %dma_wait3A_75 = tpu.memref_slice %arg11[%dma_wait3A_73, %dma_wait3A_74] : memref<10112x128xf32, #tpu.memory_space<vmem_shared>> -> memref<10112x128xf32, #tpu.memory_space<vmem_shared>>
    tpu.wait_indirect_dma semaphore(%arg15 : memref<!tpu.dma_semaphore, #tpu.memory_space<semaphore_mem>>) src(%arg10 : memref<128x128xf32, #tpu.memory_space<vmem>>) dst(%dma_wait3A_75 : memref<10112x128xf32, #tpu.memory_space<vmem_shared>>)
    %barrier3A_76 = arith.constant 0 : index
    tpu.barrier barrier_id(%barrier3A_76)
    %mul3A_77 = arith.constant 632 : i32
    %mul3A_78 = arith.muli %arg1, %mul3A_77 : i32
    %mul3A_79 = arith.constant 632 : i32
    %mul3A_80 = arith.muli %arg1, %mul3A_79 : i32
    "tpu.region"() ({
      %run_scoped3A = tpu.sem_alloc : memref<!tpu.dma_semaphore, #tpu.memory_space<semaphore_mem>>
      %dma_start3A_81 = arith.constant 0 : i32
      %dma_start3A_82 = tpu.memref_slice %arg6[%arg0, %mul3A_80, %dma_start3A_81] : memref<2x10112x128xf32, #tpu.memory_space<hbm>> -> memref<1x632x128xf32, #tpu.memory_space<hbm>>
      %dma_start3A_83 = tpu.memref_squeeze %dma_start3A_82 : memref<1x632x128xf32, #tpu.memory_space<hbm>> -> memref<632x128xf32, #tpu.memory_space<hbm>>
      %dma_start3A_84 = arith.constant 0 : i32
      %dma_start3A_85 = tpu.memref_slice %arg11[%mul3A_78, %dma_start3A_84] : memref<10112x128xf32, #tpu.memory_space<vmem_shared>> -> memref<632x128xf32, #tpu.memory_space<vmem_shared>>
      tpu.enqueue_dma source(%dma_start3A_85 : memref<632x128xf32, #tpu.memory_space<vmem_shared>>) target(%dma_start3A_83 : memref<632x128xf32, #tpu.memory_space<hbm>>) target_semaphore(%run_scoped3A : memref<!tpu.dma_semaphore, #tpu.memory_space<semaphore_mem>>)
      %dma_wait3A_86 = arith.constant 0 : i32
      %dma_wait3A_87 = tpu.memref_slice %arg6[%arg0, %mul3A_80, %dma_wait3A_86] : memref<2x10112x128xf32, #tpu.memory_space<hbm>> -> memref<1x632x128xf32, #tpu.memory_space<hbm>>
      %dma_wait3A_88 = tpu.memref_squeeze %dma_wait3A_87 : memref<1x632x128xf32, #tpu.memory_space<hbm>> -> memref<632x128xf32, #tpu.memory_space<hbm>>
      %dma_wait3A_89 = arith.constant 0 : i32
      %dma_wait3A_90 = tpu.memref_slice %arg11[%mul3A_78, %dma_wait3A_89] : memref<10112x128xf32, #tpu.memory_space<vmem_shared>> -> memref<632x128xf32, #tpu.memory_space<vmem_shared>>
      tpu.wait_dma2 semaphore(%run_scoped3A : memref<!tpu.dma_semaphore, #tpu.memory_space<semaphore_mem>>) src(%dma_wait3A_90 : memref<632x128xf32, #tpu.memory_space<vmem_shared>>) dst(%dma_wait3A_88 : memref<632x128xf32, #tpu.memory_space<hbm>>)
      tpu.yield
    }) : () -> ()
    return
  }
}

module attributes {stable_mosaic.version = 14 : i64} {
  func.func @_mm_body(%arg0: i32, %arg1: i32, %arg2: memref<1000x128xf32, #tpu.memory_space<vmem>>, %arg3: memref<128x128xf32, #tpu.memory_space<vmem>>, %arg4: memref<256x128xi32, #tpu.memory_space<vmem>>, %arg5: memref<256x128xi32, #tpu.memory_space<vmem>>, %arg6: memref<1000x32xf32, #tpu.memory_space<vmem>>, %arg7: memref<1000x128xf32, #tpu.memory_space<vmem>>, %arg8: memref<256x128xi32, #tpu.memory_space<vmem>>) attributes {dimension_semantics = [#tpu.dimension_semantics<arbitrary>, #tpu.dimension_semantics<arbitrary>], iteration_bounds = array<i64: 10, 3>, scalar_prefetch = 0 : i64, scratch_operands = 0 : i64, tpu.core_type = #tpu.core_type<tc>, window_params = [{transform_indices = @transform_0, window_bounds = array<i64: 1000, 128>}, {pipeline_mode = #tpu.pipeline_mode<synchronous>, transform_indices = @transform_1, window_bounds = array<i64: 128, 128>}, {transform_indices = @transform_2, window_bounds = array<i64: 256, 128>}, {transform_indices = @transform_3, window_bounds = array<i64: 256, 128>}, {transform_indices = @transform_4, window_bounds = array<i64: 1000, 32>}, {transform_indices = @transform_5, window_bounds = array<i64: 1000, 128>}, {transform_indices = @transform_6, window_bounds = array<i64: 256, 128>}]} {
    %get3A = arith.constant 0 : index
    %get3A_0 = arith.constant 0 : index
    %get3A_1 = vector.load %arg2[%get3A, %get3A_0] : memref<1000x128xf32, #tpu.memory_space<vmem>>, vector<1000x128xf32>
    %get3A_2 = arith.constant 0 : index
    %get3A_3 = arith.constant 0 : index
    %get3A_4 = vector.load %arg3[%get3A_2, %get3A_3] : memref<128x128xf32, #tpu.memory_space<vmem>>, vector<128x128xf32>
    %dot_general3A = arith.constant dense<0.000000e+00> : vector<1000x128xf32>
    %dot_general3A_5 = tpu.matmul %get3A_1, %get3A_4, %dot_general3A {dimension_numbers = #tpu.dot_dimension_numbers<[1], [0], [0], [1], [0, 0, 1, 1], [], []>, transpose_lhs_hint = false} : vector<1000x128xf32>, vector<128x128xf32>, vector<1000x128xf32> -> vector<1000x128xf32>
    %iota3A = tpu.iota {dimensions = array<i32: 1>} : vector<1000x128xi32>
    %jit3A = arith.constant 32 : i32
    %div3A = vector.broadcast %jit3A : i32 to vector<1000x128xi32>
    %div3A_6 = arith.divsi %iota3A, %div3A : vector<1000x128xi32>
    %sign3A = arith.constant 0 : i32
    %sign3A_7 = vector.broadcast %sign3A : i32 to vector<1000x128xi32>
    %sign3A_8 = arith.cmpi sgt, %iota3A, %sign3A_7 : vector<1000x128xi32>
    %sign3A_9 = arith.extui %sign3A_8 : vector<1000x128xi1> to vector<1000x128xi32>
    %sign3A_10 = arith.constant 0 : i32
    %sign3A_11 = vector.broadcast %sign3A_10 : i32 to vector<1000x128xi32>
    %sign3A_12 = arith.cmpi slt, %iota3A, %sign3A_11 : vector<1000x128xi32>
    %sign3A_13 = arith.extui %sign3A_12 : vector<1000x128xi1> to vector<1000x128xi32>
    %sign3A_14 = arith.subi %sign3A_9, %sign3A_13 : vector<1000x128xi32>
    %sign3A_15 = arith.constant 0 : i32
    %sign3A_16 = arith.cmpi sgt, %jit3A, %sign3A_15 : i32
    %sign3A_17 = arith.extui %sign3A_16 : i1 to i32
    %sign3A_18 = arith.constant 0 : i32
    %sign3A_19 = arith.cmpi slt, %jit3A, %sign3A_18 : i32
    %sign3A_20 = arith.extui %sign3A_19 : i1 to i32
    %sign3A_21 = arith.subi %sign3A_17, %sign3A_20 : i32
    %ne3A = vector.broadcast %sign3A_21 : i32 to vector<1000x128xi32>
    %ne3A_22 = arith.cmpi ne, %sign3A_14, %ne3A : vector<1000x128xi32>
    %rem3A = vector.broadcast %jit3A : i32 to vector<1000x128xi32>
    %rem3A_23 = arith.remsi %iota3A, %rem3A : vector<1000x128xi32>
    %ne3A_24 = arith.constant 0 : i32
    %ne3A_25 = vector.broadcast %ne3A_24 : i32 to vector<1000x128xi32>
    %ne3A_26 = arith.cmpi ne, %rem3A_23, %ne3A_25 : vector<1000x128xi32>
    %and3A = arith.andi %ne3A_22, %ne3A_26 : vector<1000x128xi1>
    %sub3A = arith.constant 1 : i32
    %sub3A_27 = vector.broadcast %sub3A : i32 to vector<1000x128xi32>
    %sub3A_28 = arith.subi %div3A_6, %sub3A_27 : vector<1000x128xi32>
    %select_n3A = arith.select %and3A, %sub3A_28, %div3A_6 : vector<1000x128xi1>, vector<1000x128xi32>
    %eq3A = vector.broadcast %arg1 : i32 to vector<1000x128xi32>
    %eq3A_29 = arith.cmpi eq, %select_n3A, %eq3A : vector<1000x128xi32>
    %jit3A_30 = arith.constant 0.000000e+00 : f32
    %broadcast_in_dim3A = vector.broadcast %jit3A_30 : f32 to vector<1000x128xf32>
    %select_n3A_31 = arith.select %eq3A_29, %dot_general3A_5, %broadcast_in_dim3A : vector<1000x128xi1>, vector<1000x128xf32>
    %swap3A = arith.constant 0 : index
    %swap3A_32 = arith.constant 0 : index
    %swap3A_33 = vector.load %arg7[%swap3A, %swap3A_32] : memref<1000x128xf32, #tpu.memory_space<vmem>>, vector<1000x128xf32>
    tpu.vector_store %arg7[%swap3A, %swap3A_32], %select_n3A_31 {strides = array<i32>} : memref<1000x128xf32, #tpu.memory_space<vmem>>, vector<1000x128xf32>,
    %eq3A_34 = arith.constant 0 : i32
    %eq3A_35 = arith.cmpi eq, %arg1, %eq3A_34 : i32
    %convert_element_type3A = arith.extui %eq3A_35 : i1 to i32
    %cond3A = arith.constant 0 : i32
    %cond3A_36 = arith.cmpi ne, %convert_element_type3A, %cond3A : i32
    scf.if %cond3A_36 {
      %slice3A = vector.extract_strided_slice %dot_general3A_5 {offsets = [0, 96], sizes = [1000, 32], strides = [1, 1]} : vector<1000x128xf32> to vector<1000x32xf32>
      %swap3A_37 = arith.constant 0 : index
      %swap3A_38 = arith.constant 0 : index
      %swap3A_39 = vector.load %arg6[%swap3A_37, %swap3A_38] : memref<1000x32xf32, #tpu.memory_space<vmem>>, vector<1000x32xf32>
      tpu.vector_store %arg6[%swap3A_37, %swap3A_38], %slice3A {strides = array<i32>} : memref<1000x32xf32, #tpu.memory_space<vmem>>, vector<1000x32xf32>,
      %get3A_40 = arith.constant 0 : index
      %get3A_41 = arith.constant 0 : index
      %get3A_42 = vector.load %arg5[%get3A_40, %get3A_41] : memref<256x128xi32, #tpu.memory_space<vmem>>, vector<256x128xi32>
      %mul3A = arith.constant 10000 : i32
      %mul3A_43 = vector.broadcast %mul3A : i32 to vector<256x128xi32>
      %mul3A_44 = arith.muli %get3A_42, %mul3A_43 : vector<256x128xi32>
      %get3A_45 = arith.constant 0 : index
      %get3A_46 = arith.constant 0 : index
      %get3A_47 = vector.load %arg4[%get3A_45, %get3A_46] : memref<256x128xi32, #tpu.memory_space<vmem>>, vector<256x128xi32>
      %add3A = arith.addi %mul3A_44, %get3A_47 : vector<256x128xi32>
      %swap3A_48 = arith.constant 0 : index
      %swap3A_49 = arith.constant 0 : index
      %swap3A_50 = vector.load %arg8[%swap3A_48, %swap3A_49] : memref<256x128xi32, #tpu.memory_space<vmem>>, vector<256x128xi32>
      tpu.vector_store %arg8[%swap3A_48, %swap3A_49], %add3A {strides = array<i32>} : memref<256x128xi32, #tpu.memory_space<vmem>>, vector<256x128xi32>,
    } else {
    }
    return
  }
  func.func @transform_0(%arg0: i32, %arg1: i32) -> (i32, i32) {
    %c0_i32 = arith.constant 0 : i32
    %c0_i32_0 = arith.constant 0 : i32
    return %arg0, %c0_i32 : i32, i32
  }
  func.func @transform_1(%arg0: i32, %arg1: i32) -> (i32, i32) {
    %c0_i32 = arith.constant 0 : i32
    %c0_i32_0 = arith.constant 0 : i32
    %c0_i32_1 = arith.constant 0 : i32
    return %c0_i32, %c0_i32_0 : i32, i32
  }
  func.func @transform_2(%arg0: i32, %arg1: i32) -> (i32, i32) {
    %c0_i32 = arith.constant 0 : i32
    %c0_i32_0 = arith.constant 0 : i32
    return %arg0, %c0_i32 : i32, i32
  }
  func.func @transform_3(%arg0: i32, %arg1: i32) -> (i32, i32) {
    %c0_i32 = arith.constant 0 : i32
    %c0_i32_0 = arith.constant 0 : i32
    return %arg0, %c0_i32 : i32, i32
  }
  func.func @transform_4(%arg0: i32, %arg1: i32) -> (i32, i32) {
    %c0_i32 = arith.constant 0 : i32
    %c0_i32_0 = arith.constant 0 : i32
    return %arg0, %c0_i32 : i32, i32
  }
  func.func @transform_5(%arg0: i32, %arg1: i32) -> (i32, i32) {
    %mul3A = arith.constant 10 : i32
    %mul3A_0 = arith.muli %arg1, %mul3A : i32
    %add3A = arith.addi %mul3A_0, %arg0 : i32
    %c0_i32 = arith.constant 0 : i32
    %c0_i32_1 = arith.constant 0 : i32
    return %add3A, %c0_i32 : i32, i32
  }
  func.func @transform_6(%arg0: i32, %arg1: i32) -> (i32, i32) {
    %c0_i32 = arith.constant 0 : i32
    %c0_i32_0 = arith.constant 0 : i32
    return %arg0, %c0_i32 : i32, i32
  }
}

module attributes {stable_mosaic.version = 14 : i64} {
  func.func @_reduce_body(%arg0: i32, %arg1: memref<2x1264x128xf32, #tpu.memory_space<vmem>>, %arg2: memref<1264x32xf32, #tpu.memory_space<vmem>>) attributes {dimension_semantics = [#tpu.dimension_semantics<arbitrary>], iteration_bounds = array<i64: 8>, scalar_prefetch = 0 : i64, scratch_operands = 0 : i64, tpu.core_type = #tpu.core_type<tc>, window_params = [{transform_indices = @transform_0, window_bounds = array<i64: 2, 1264, 128>}, {transform_indices = @transform_1, window_bounds = array<i64: 1264, 32>}]} {
    %get3A = arith.constant 0 : index
    %get3A_0 = arith.constant 0 : index
    %get3A_1 = arith.constant 0 : index
    %get3A_2 = vector.load %arg1[%get3A, %get3A_0, %get3A_1] : memref<2x1264x128xf32, #tpu.memory_space<vmem>>, vector<1x1264x128xf32>
    %get3A_3 = vector.shape_cast %get3A_2 : vector<1x1264x128xf32> to vector<1264x128xf32>
    %get3A_4 = arith.constant 1 : index
    %get3A_5 = arith.constant 0 : index
    %get3A_6 = arith.constant 0 : index
    %get3A_7 = vector.load %arg1[%get3A_4, %get3A_5, %get3A_6] : memref<2x1264x128xf32, #tpu.memory_space<vmem>>, vector<1x1264x128xf32>
    %get3A_8 = vector.shape_cast %get3A_7 : vector<1x1264x128xf32> to vector<1264x128xf32>
    %add3A = arith.addf %get3A_3, %get3A_8 : vector<1264x128xf32>
    %slice3A = vector.extract_strided_slice %add3A {offsets = [0, 0], sizes = [1264, 32], strides = [1, 1]} : vector<1264x128xf32> to vector<1264x32xf32>
    %slice3A_9 = vector.extract_strided_slice %add3A {offsets = [0, 32], sizes = [1264, 32], strides = [1, 1]} : vector<1264x128xf32> to vector<1264x32xf32>
    %add3A_10 = arith.addf %slice3A, %slice3A_9 : vector<1264x32xf32>
    %slice3A_11 = vector.extract_strided_slice %add3A {offsets = [0, 64], sizes = [1264, 32], strides = [1, 1]} : vector<1264x128xf32> to vector<1264x32xf32>
    %add3A_12 = arith.addf %add3A_10, %slice3A_11 : vector<1264x32xf32>
    %swap3A = arith.constant 0 : index
    %swap3A_13 = arith.constant 0 : index
    %swap3A_14 = vector.load %arg2[%swap3A, %swap3A_13] : memref<1264x32xf32, #tpu.memory_space<vmem>>, vector<1264x32xf32>
    tpu.vector_store %arg2[%swap3A, %swap3A_13], %add3A_12 {strides = array<i32>} : memref<1264x32xf32, #tpu.memory_space<vmem>>, vector<1264x32xf32>,
    return
  }
  func.func @transform_0(%arg0: i32) -> (i32, i32, i32) {
    %c0_i32 = arith.constant 0 : i32
    %c0_i32_0 = arith.constant 0 : i32
    %c0_i32_1 = arith.constant 0 : i32
    return %c0_i32, %arg0, %c0_i32_0 : i32, i32, i32
  }
  func.func @transform_1(%arg0: i32) -> (i32, i32) {
    %c0_i32 = arith.constant 0 : i32
    %c0_i32_0 = arith.constant 0 : i32
    return %arg0, %c0_i32 : i32, i32
  }
}

module attributes {stable_mosaic.version = 14 : i64} {
  func.func @_readout_body(%arg0: i32, %arg1: memref<10000x32xf32, #tpu.memory_space<vmem>>, %arg2: memref<10112x32xf32, #tpu.memory_space<vmem>>, %arg3: memref<1x10000xf32, #tpu.memory_space<vmem>>, %arg4: memref<1x10000xi32, #tpu.memory_space<vmem>>, %arg5: memref<1x10000xi32, #tpu.memory_space<vmem>>, %arg6: memref<64x32xf32, #tpu.memory_space<vmem>>) attributes {dimension_semantics = [#tpu.dimension_semantics<arbitrary>], iteration_bounds = array<i64: 1>, scalar_prefetch = 0 : i64, scratch_operands = 0 : i64, tpu.core_type = #tpu.core_type<tc>, window_params = [{pipeline_mode = #tpu.pipeline_mode<synchronous>, transform_indices = @transform_0, window_bounds = array<i64: 10000, 32>}, {pipeline_mode = #tpu.pipeline_mode<synchronous>, transform_indices = @transform_1, window_bounds = array<i64: 10112, 32>}, {pipeline_mode = #tpu.pipeline_mode<synchronous>, transform_indices = @transform_2, window_bounds = array<i64: 1, 10000>}, {pipeline_mode = #tpu.pipeline_mode<synchronous>, transform_indices = @transform_3, window_bounds = array<i64: 1, 10000>}, {pipeline_mode = #tpu.pipeline_mode<synchronous>, transform_indices = @transform_4, window_bounds = array<i64: 1, 10000>}, {pipeline_mode = #tpu.pipeline_mode<synchronous>, transform_indices = @transform_5, window_bounds = array<i64: 64, 32>}]} {
    %get3A = arith.constant 0 : index
    %get3A_0 = arith.constant 0 : index
    %get3A_1 = vector.load %arg1[%get3A, %get3A_0] : memref<10000x32xf32, #tpu.memory_space<vmem>>, vector<10000x32xf32>
    %get3A_2 = arith.constant 0 : index
    %get3A_3 = arith.constant 0 : index
    %get3A_4 = vector.load %arg2[%get3A_2, %get3A_3] : memref<10112x32xf32, #tpu.memory_space<vmem>>, vector<10000x32xf32>
    %add3A = arith.addf %get3A_1, %get3A_4 : vector<10000x32xf32>
    %max3A = arith.constant 0.000000e+00 : f32
    %max3A_5 = vector.broadcast %max3A : f32 to vector<10000x32xf32>
    %max3A_6 = arith.maximumf %add3A, %max3A_5 : vector<10000x32xf32>
    %get3A_7 = arith.constant 0 : index
    %get3A_8 = arith.constant 0 : index
    %get3A_9 = vector.load %arg3[%get3A_7, %get3A_8] : memref<1x10000xf32, #tpu.memory_space<vmem>>, vector<1x10000xf32>
    %add3A_10 = arith.constant 1.000000e+00 : f32
    %add3A_11 = vector.broadcast %add3A_10 : f32 to vector<1x10000xf32>
    %add3A_12 = arith.addf %get3A_9, %add3A_11 : vector<1x10000xf32>
    %get3A_13 = arith.constant 0 : index
    %get3A_14 = arith.constant 0 : index
    %get3A_15 = vector.load %arg4[%get3A_13, %get3A_14] : memref<1x10000xi32, #tpu.memory_space<vmem>>, vector<1x10000xi32>
    %eq3A = arith.constant 0 : i32
    %eq3A_16 = vector.broadcast %eq3A : i32 to vector<1x10000xi32>
    %eq3A_17 = arith.cmpi eq, %get3A_15, %eq3A_16 : vector<1x10000xi32>
    %convert_element_type3A = arith.extui %eq3A_17 : vector<1x10000xi1> to vector<1x10000xi32>
    %convert_element_type3A_18 = arith.sitofp %convert_element_type3A : vector<1x10000xi32> to vector<1x10000xf32>
    %mul3A = arith.mulf %add3A_12, %convert_element_type3A_18 : vector<1x10000xf32>
    %get3A_19 = arith.constant 0 : index
    %get3A_20 = arith.constant 0 : index
    %get3A_21 = vector.load %arg5[%get3A_19, %get3A_20] : memref<1x10000xi32, #tpu.memory_space<vmem>>, vector<1x10000xi32>
    %iota3A = tpu.iota {dimensions = array<i32: 0>} : vector<64x10000xi32>
    %eq3A_22 = vector.broadcast %get3A_21 : vector<1x10000xi32> to vector<64x10000xi32>
    %eq3A_23 = arith.cmpi eq, %eq3A_22, %iota3A : vector<64x10000xi32>
    %jit3A = arith.constant 0.000000e+00 : f32
    %broadcast_in_dim3A = vector.shape_cast %mul3A : vector<1x10000xf32> to vector<1x10000xf32>
    %broadcast_in_dim3A_24 = vector.broadcast %broadcast_in_dim3A : vector<1x10000xf32> to vector<64x10000xf32>
    %broadcast_in_dim3A_25 = vector.broadcast %jit3A : f32 to vector<64x10000xf32>
    %select_n3A = arith.select %eq3A_23, %broadcast_in_dim3A_24, %broadcast_in_dim3A_25 : vector<64x10000xi1>, vector<64x10000xf32>
    %dot_general3A = arith.constant dense<0.000000e+00> : vector<64x32xf32>
    %dot_general3A_26 = tpu.matmul %select_n3A, %max3A_6, %dot_general3A {dimension_numbers = #tpu.dot_dimension_numbers<[1], [0], [0], [1], [0, 0, 1, 1], [], []>, transpose_lhs_hint = false} : vector<64x10000xf32>, vector<10000x32xf32>, vector<64x32xf32> -> vector<64x32xf32>
    %swap3A = arith.constant 0 : index
    %swap3A_27 = arith.constant 0 : index
    %swap3A_28 = vector.load %arg6[%swap3A, %swap3A_27] : memref<64x32xf32, #tpu.memory_space<vmem>>, vector<64x32xf32>
    tpu.vector_store %arg6[%swap3A, %swap3A_27], %dot_general3A_26 {strides = array<i32>} : memref<64x32xf32, #tpu.memory_space<vmem>>, vector<64x32xf32>,
    return
  }
  func.func @transform_0(%arg0: i32) -> (i32, i32) {
    %c0_i32 = arith.constant 0 : i32
    %c0_i32_0 = arith.constant 0 : i32
    %c0_i32_1 = arith.constant 0 : i32
    return %c0_i32, %c0_i32_0 : i32, i32
  }
  func.func @transform_1(%arg0: i32) -> (i32, i32) {
    %c0_i32 = arith.constant 0 : i32
    %c0_i32_0 = arith.constant 0 : i32
    %c0_i32_1 = arith.constant 0 : i32
    return %c0_i32, %c0_i32_0 : i32, i32
  }
  func.func @transform_2(%arg0: i32) -> (i32, i32) {
    %c0_i32 = arith.constant 0 : i32
    %c0_i32_0 = arith.constant 0 : i32
    %c0_i32_1 = arith.constant 0 : i32
    return %c0_i32, %c0_i32_0 : i32, i32
  }
  func.func @transform_3(%arg0: i32) -> (i32, i32) {
    %c0_i32 = arith.constant 0 : i32
    %c0_i32_0 = arith.constant 0 : i32
    %c0_i32_1 = arith.constant 0 : i32
    return %c0_i32, %c0_i32_0 : i32, i32
  }
  func.func @transform_4(%arg0: i32) -> (i32, i32) {
    %c0_i32 = arith.constant 0 : i32
    %c0_i32_0 = arith.constant 0 : i32
    %c0_i32_1 = arith.constant 0 : i32
    return %c0_i32, %c0_i32_0 : i32, i32
  }
  func.func @transform_5(%arg0: i32) -> (i32, i32) {
    %c0_i32 = arith.constant 0 : i32
    %c0_i32_0 = arith.constant 0 : i32
    %c0_i32_1 = arith.constant 0 : i32
    return %c0_i32, %c0_i32_0 : i32, i32
  }
}

</mosaic_0001>

<sc_bundles>
// kernel: kernel.6.cloned.1.call-start
scs
__scs_entry_jumppad:
0x0: {  	(pc) =	sbr.rel $0x88, $3  }
0x1: {  	(tag) =	ssettag $0x0;
	lr =	simm.s32 $0x1  }
0x2: {  	[smem:$0x3F99] =	sst lr;
	_ =	strace $0xD0000000  }
0x3: {  	_ = 	snop  }
0x4: {  	_ = 	snop  }
0x5: {  	_ = 	snop  }
0x6: {  	_ = 	snop  }
0x7: {  	_ = 	snop  }
__scs_overlays_trampoline_lowered:
0x8: {  	[smem:$0x3FA8] =	sst s0  }
0x9: {  	[smem:$0x3FA9] =	sst s1  }
0xa: {  	[smem:$0x3FAA] =	sst s2  }
0xb: {  	[smem:$0x3FAB] =	sst s3  }
0xc: {  	[smem:$0x3FAC] =	sst s4  }
0xd: {  	[smem:$0x3FAD] =	sst s5  }
0xe: {  	[smem:$0x3FAE] =	sst s6  }
0xf: {  	[smem:$0x3FAF] =	sst s7  }
0x10: {  	[smem:$0x3FB0] =	sst s8  }
0x11: {  	[smem:$0x3FB1] =	sst s9;
	s0 =	simm.s32 @!p0 $0x0  }
0x12: {  	s1 =	sld [smem:$0x3F97];
	s0 =	simm.s32 @p0 $0x1  }
0x13: {  	[smem:$0x3FB2] =	sst s0;
	s0 =	simm.s32 @!p1 $0x0  }
0x14: {  	s2 =	sld [smem:$0x3F96];
	s0 =	simm.s32 @p1 $0x1  }
0x15: {  	[smem:$0x3FB3] =	sst s0;
	s0 =	simm.s32 @!p2 $0x0  }
0x16: {  	s3 =	sld [smem:$0x3FDB];
	s0 =	simm.s32 @p2 $0x1  }
0x17: {  	s4 =	simm.s32 $0x1BF5;
	[smem:$0x3FB5] =	sst s0  }
0x18: {  	s0 =	sld [smem:$0x3F98];
	_ =	swait.ge [sflag:s4], $0x0  }
0x19: {  	s7 =	sld [smem:$0x3F99]  }
0x1a: {  	s8 =	sadd.s32 $0xFFFFE003, lr  }
0x1b: {  	s9 =	sadd.s32 $0xFFFFFEF7, lr;
	s5 =	simm.s32 $0xFFFFFFFF;
	p2 =	slt.u32 s8, $0xFFFFF086  }
0x1c: {  	p1 =	slt.u32 s9, $0xF7A;
	s5 =	simm.s32 @!p2 $0x0  }
0x1d: {  	s5 =	simm.s32 @p1 $0x1;
	p0 =	seq.s32 s7, s2  }
0x1e: {  	s7 =	smul.u32 @!p0 $0xF7A, s2;
	p2 =	seq.s32 @!p0 s5, $0x0  }
0x1f: {  	s9 =	smul.u32 $0xF7A, s1;
	s8 =	simm.s32 @!p0 $0x1BF5;
	p2 =	por !p2, p0  }
0x20: {  	[sflag:s8] =	ssyncset.s32 @!p0 $0xFFFFF086;
	s6 =	sadd.s32 @!p0 s3, s7;
	s7 =	simm.s32 @!p0 $0x108  }
0x21: {  	s3 =	sadd.s32 s3, s9;
	s6 =	sadd.s32 @!p0 $0x88, s6;
	s7 =	simm.s32 @p2 $0x1082  }
0x22: {  	[simem:s7], [sflag:s8] =	dma.local @!p0 [hbm:s6], $0xF7A  }
0x23: {  	s9 =	sor.u32 $0xD0000000, s2;
	s6 =	simm.s32 $0x108;
	_ =	swait.ge @!p0 [sflag:s8], $0x0  }
0x24: {  	s3 =	sadd.s32 $0x88, s3;
	s6 =	simm.s32 @!p1 $0x1082;
	[sflag:s4] =	ssyncset.s32 $0xFFFFF086  }
0x25: {  	[simem:s6], [sflag:s4] =	dma.local [hbm:s3], $0xF7A  }
0x26: {  	[smem:$0x3F99] =	sst s1;
	(tag) =	ssettag s2;
	_ =	strace s9  }
0x27: {  	s1 =	sld [smem:$0x3FA9]  }
0x28: {  	s2 =	sld [smem:$0x3FAA]  }
0x29: {  	s4 =	sld [smem:$0x3FAC]  }
0x2a: {  	p0 =	seq.s32 s5, $0x0;
	s5 =	sld [smem:$0x3FAD]  }
0x2b: {  	s6 =	sld [smem:$0x3FAE]  }
0x2c: {  	s7 =	sld [smem:$0x3FAF]  }
0x2d: {  	s3 =	simm.s32 $0x108;
	s8 =	sld [smem:$0x3FB0]  }
0x2e: {  	s3 =	simm.s32 @!p0 $0x1082;
	s9 =	sld [smem:$0x3FB1]  }
0x2f: {  	lr =	sadd.s32 s0, s3;
	s0 =	sld [smem:$0x3FA8]  }
0x30: {  	s3 =	sld [smem:$0x3FAB]  }
0x31: {  	[smem:$0x3FB4] =	sst s10  }
0x32: {  	s10 =	sld [smem:$0x3FB2];
	_ =	sdelay $0x3  }
0x33: {  	p0 =	seq.s32 s10, $0x1;
	s10 =	sld [smem:$0x3FB4];
	_ =	sdelay $0x3  }
0x34: {  	[smem:$0x3FB4] =	sst s10  }
0x35: {  	s10 =	sld [smem:$0x3FB3];
	_ =	sdelay $0x3  }
0x36: {  	p1 =	seq.s32 s10, $0x1;
	s10 =	sld [smem:$0x3FB4];
	_ =	sdelay $0x3  }
0x37: {  	[smem:$0x3FB4] =	sst s10  }
0x38: {  	s10 =	sld [smem:$0x3FB5]  }
0x39: {  	_ = 	snop;
	(pc) =	sbr.ind lr, $3  }
0x3a: {  	_ = 	snop  }
0x3b: {  	_ = 	snop  }
0x3c: {  	p2 =	seq.s32 s10, $0x1;
	s10 =	sld [smem:$0x3FB4]  }
0x3d: {  	_ =	shalt  }
0x3e: {  	_ =	shalt  }
0x3f: {  	_ =	shalt  }
0x40: {  	_ =	shalt  }
0x41: {  	_ =	shalt  }
0x42: {  	_ =	shalt  }
0x43: {  	_ =	shalt  }
0x44: {  	_ =	shalt  }
0x45: {  	_ =	shalt  }
0x46: {  	_ =	shalt  }
0x47: {  	_ =	shalt  }
0x48: {  	_ =	shalt  }
0x49: {  	_ =	shalt  }
0x4a: {  	_ =	shalt  }
0x4b: {  	_ =	shalt  }
0x4c: {  	_ =	shalt  }
0x4d: {  	_ =	shalt  }
0x4e: {  	_ =	shalt  }
0x4f: {  	_ =	shalt  }
0x50: {  	_ =	shalt  }
0x51: {  	_ =	shalt  }
0x52: {  	_ =	shalt  }
0x53: {  	_ =	shalt  }
0x54: {  	_ =	shalt  }
0x55: {  	_ =	shalt  }
0x56: {  	_ =	shalt  }
0x57: {  	_ =	shalt  }
0x58: {  	_ =	shalt  }
0x59: {  	_ =	shalt  }
0x5a: {  	_ =	shalt  }
0x5b: {  	_ =	shalt  }
0x5c: {  	_ =	shalt  }
0x5d: {  	_ =	shalt  }
0x5e: {  	_ =	shalt  }
0x5f: {  	_ =	shalt  }
0x60: {  	_ =	shalt  }
0x61: {  	_ =	shalt  }
0x62: {  	_ =	shalt  }
0x63: {  	_ =	shalt  }
0x64: {  	_ =	shalt  }
0x65: {  	_ =	shalt  }
0x66: {  	_ =	shalt  }
0x67: {  	_ =	shalt  }
0x68: {  	_ =	shalt  }
0x69: {  	_ =	shalt  }
0x6a: {  	_ =	shalt  }
0x6b: {  	_ =	shalt  }
0x6c: {  	_ =	shalt  }
0x6d: {  	_ =	shalt  }
0x6e: {  	_ =	shalt  }
0x6f: {  	_ =	shalt  }
0x70: {  	_ =	shalt  }
0x71: {  	_ =	shalt  }
0x72: {  	_ =	shalt  }
0x73: {  	_ =	shalt  }
0x74: {  	_ =	shalt  }
0x75: {  	_ =	shalt  }
0x76: {  	_ =	shalt  }
0x77: {  	_ =	shalt  }
0x78: {  	_ =	shalt  }
0x79: {  	_ =	shalt  }
0x7a: {  	_ =	shalt  }
0x7b: {  	_ =	shalt  }
0x7c: {  	_ =	shalt  }
0x7d: {  	_ =	shalt  }
0x7e: {  	_ =	shalt  }
0x7f: {  	_ =	shalt  }
0x80: {  	_ =	shalt  }
0x81: {  	_ =	shalt  }
0x82: {  	_ =	shalt  }
0x83: {  	_ =	shalt  }
0x84: {  	_ =	shalt  }
0x85: {  	_ =	shalt  }
0x86: {  	_ =	shalt  }
0x87: {  	_ =	shalt  }
.Lfunc_end0:
.L_simem_size_0:
called_computation_lowered:
.L_overlay_start_0:
0x88: {  	s2 =	sld [smem:$0x3FD9]  }
0x89: {  	s3 =	sld [smem:$0x3FFE];
	_ =	sdelay $0x1  }
0x8a: {  	s1 =	srdreg.scid  }
0x8b: {  	s0 =	sand.u32 $0x1, s1  }
0x8c: {  	s16 =	sshll.u32 s0, $0xA;
	s2 =	sadd.s32 s3, s2  }
0x8d: {  	s2 =	sadd.s32 s2, s16  }
0x8e: {  	[smem:$0x3FC0] =	sst s2  }
0x8f: {  	_ = 	snop  }
0x90: {  	(tm) =	ssettm $0x1  }
0x91: {  	s17 =	sld [smem:$0x3FFB];
	_ =	sdelay $0x3  }
0x92: {  	_ =	strace s17  }
0x93: {  	s2 =	sld [smem:$0x3FFC];
	_ =	sdelay $0x3  }
0x94: {  	_ =	strace s2  }
0x95: {  	s2 =	sld [smem:$0x3FFD];
	_ =	sdelay $0x3  }
0x96: {  	_ =	strace s2  }
0x97: {  	_ =	strace $0x8FFFFFFF  }
0x98: {  	s18 =	sld [smem:$0x3FDB];
	_ =	sdelay $0x1  }
0x99: {  	s19 =	simm.s32 $_scs_section_size  }
0x9a: {  	s4 =	simm.s32 $_size__tile_overlayer_lowered;
	s5 =	simm.s32 $_tile_overlayer_lowered  }
0x9b: {  	s22 =	simm.s32 $0x1BFF;
	s21 =	sshll.u32 s5, $0x1;
	s2 =	sadd.s32 s19, s18  }
0x9c: {  	s6 =	simm.s32 $0x0;
	s20 =	sshll.u32 s4, $0x1;
	s4 =	sadd.s32 s21, s2  }
0x9d: {  	[timem:s6], [sflag:s22] =	dma.local [hbm:s4], s20  }
0x9e: {  	_ =	swait.ge [sflag:s22], s20  }
0x9f: {  	s3 =	ssub.s32 $0x0, s20;
	[sflag:s22] =	ssyncset.done $0x0  }
0xa0: {  	[sflag:s22] =	ssyncadd.s32 s3;
	_ =	sdelay $0x1  }
0xa1: {  	s23 =	simm.s32 $0x1B8B  }
0xa2: {  	_ =	swait.ge [sflag:s23], $0x1  }
0xa3: {  	[sflag:s23] =	ssyncset.done $0x0  }
0xa4: {  	s25 =	simm.s32 $0x1B8E;
	s24 =	sld [smem:$0x3FFE];
	[sflag:s23] =	ssyncadd.s32 $0xFFFFFFFF  }
0xa5: {  	s26 =	simm.s32 $execute0_lowered;
	[smem:$0x3FD2] =	sst s25  }
0xa6: {  	s4 =	sshll.u32 s26, $0x1;
	_ =	strace $0x80000046;
	[dreg:$0x1] =	wrdreg $0xFFFFFFFF  }
0xa7: {  	s28 =	simm.s32 $_size_execute0_lowered;
	s2 =	sadd.s32 s2, s4;
	[dreg:$0x0] =	wrdreg $0x0  }
0xa8: {  	s4 =	sshll.u32 s28, $0x1;
	[dreg:$0x2] =	wrdreg s2  }
0xa9: {  	[dreg:$0x3] =	wrdreg s4  }
0xaa: {  	[dreg:$0x4] =	wrdreg $0xC0  }
0xab: {  	_ =	task [dreg:s6], $0x5FFFF  }
0xac: {  	[dreg:$0x1] =	wrdreg $0xFFFFFFFF  }
0xad: {  	[dreg:$0x0] =	wrdreg $0x60  }
0xae: {  	[dreg:$0x2] =	wrdreg s24  }
0xaf: {  	[dreg:$0x3] =	wrdreg $0xA8000  }
0xb0: {  	[dreg:$0x4] =	wrdreg $0x9  }
0xb1: {  	_ =	task.clear_ibuf [dreg:s6], $0x5FFFF;
	_ =	strace $0x90000046  }
0xb2: {  	s29 =	simm.s32 $0x9;
	_ =	strace $0x80000048  }
0xb3: {  	_ =	swait.ge [sflag:s29], $0x1  }
0xb4: {  	[sflag:s29] =	ssyncadd.s32 $0xFFFFFFFF  }
0xb5: {  	_ =	strace $0x90000048  }
0xb6: {  	_ =	sfence  }
0xb7: {  	s30 =	sld [smem:$0x0];
	_ =	sdelay $0x2  }
0xb8: {  	s31 =	sshll.u32 s1, $0xD;
	s1 =	sshrl.u32 s1, $0x2  }
0xb9: {  	s3 =	sand.u32 $0x4000, s31;
	s1 =	sadd.s32 s1, s30  }
0xba: {  	s0 =	sor.u32 s3, s0;
	s1 =	sshll.u32 s1, $0x11  }
0xbb: {  	s0 =	sor.u32 s1, s0  }
0xbc: {  	s0 =	sadd.s32 $0x8F2B, s0  }
0xbd: {  	[sflag:s0] =	ssyncadd.remote.s32 $0x1  }
0xbe: {  	_ =	sfence.sel $0xFFFF  }
0xbf: {  	[dreg:$0x0] =	wrdreg $0xFFFFFFFF;
	(pc) =	sbr.abs _section_cstart, $3  }
0xc0: {  	[dreg:$0x1] =	wrdreg $0xFFFFFFFF  }
0xc1: {  	_ =	task.clear_ibuf [dreg:s6], $0x2FFFF;
	_ =	strace $0x9FFFFFFF  }
0xc2: {  	(tm) =	ssettm $0x7FFFFFFF  }
0xc3: {  	_ =	shalt  }
tec
execute0_lowered:
.L_overlay_start_1:
0x0: {  	(tag) =	ssettag $0x1  }
0x1: {  	s5 =	rddreg [dreg:$0x0]  }
0x2: {  	s1 =	rddreg [dreg:$0x1]  }
0x3: {  	s0 =	rddreg [dreg:$0x2];
	s3 =	simm.s32 $0x0;
	s2 =	stileid.u32  }
0x4: {  	s6 =	srdreg.scid;
	s15 =	simm.s32 $0x2800;
	s16 =	simm.s32 $0x6800  }
0x5: {  	s19 =	simm.s32 $0x1;
	s20 =	simm.s32 $0x2;
	s21 =	simm.s32 $0x3  }
0x6: {  	s22 =	simm.s32 $0x4;
	s23 =	simm.s32 $0x2700;
	s24 =	simm.s32 $0x2780  }
0x7: {  	s25 =	simm.s32 $0x0;
	[smem:$0x7FF] =	sst s3;
	s4 =	sadd.s32 $0xB600, s5  }
0x8: {  	s7 =	smul.u32 $0x13C00, s2;
	s6 =	sand.u32 $0x1, s6;
	s8 =	sadd.s32 $0x80A00, s5  }
0x9: {  	s11 =	sadd.s32 $0x1600, s5;
	s30 =	smul.u32 $0x4F000, s2;
	s17 =	sshll.u32 s2, $0x6  }
0xa: {  	_ =	strace $0x80000047;
	s9 =	smul.u32 $0x13C000, s6;
	s10 =	sshll.u32 s6, $0x4  }
0xb: {  	s6 =	ssub.s32 $0x2, s6;
	s17 =	sor.u32 $0x1C05, s17;
	s10 =	sor.u32 s2, s10  }
0xc: {  	s12 =	sshrl.u32 s7, $0x3;
	s7 =	sadd.s32 s7, s9;
	s28 =	smul.u32 $0x500, s10  }
0xd: {  	s29 =	sshrl.u32 s6, $0x1;
	s10 =	smul.u32 $0x2800, s10;
	s7 =	sshrl.u32 s7, $0x3  }
0xe: {  	s12 =	sadd.s32 s12, s5;
	s14 =	ssub.s32 s6, s29;
	s13 =	sadd.s32 s7, s5  }
0xf: {  	s5 =	sadd.s32 s8, s28;
	s10 =	sshrl.u32 s10, $0x3;
	s7 =	sshrl.u32 s30, $0x2  }
0x10: {  	s6 =	sadd.s32 s11, s28;
	s31 =	sadd.s32 $0x280, s10;
	s18 =	sadd.s32 s7, s1  }
0x11: {  	s7 =	sadd.s32 $0x8AA00, s12;
	s10 =	sadd.s32 $0xB2200, s13;
	s12 =	simm.s32 $0x5  }
0x12: {  	s13 =	simm.s32 $0x1400;
	s8 =	sadd.s32 s8, s31;
	s9 =	sadd.s32 s11, s31  }
0x13: {  	s11 =	smax.u32 s14, $0x1;
	s14 =	simm.s32 $0x80;
	s18 =	sshrl.u32 s18, $0x3  }
.LBB2_1:
0x14: {  	[tilespmem:s3], [sflag:$0x5] =	stream.linear.gather [hbm4b:s5+s3], $0x1400, $0x38;
	[tilespmem:$0x1E400] =	vst v63  }
0x15: {  	_ =	swait.ge [sflag:s12], $0x1400  }
0x16: {  	[sflag:s12] =	ssyncset.done $0x0  }
0x17: {  	[sflag:s12] =	ssyncadd.s32 $0xFFFFEC00  }
0x18: {  	[tilespmem:s13], [sflag:$0x5] =	stream.linear.gather [hbm4b:s6+s3], $0x1400, $0x38;
	[tilespmem:$0x1E400] =	vst v63  }
0x19: {  	_ =	swait.ge [sflag:s12], $0x1400  }
0x1a: {  	[sflag:s12] =	ssyncset.done $0x0  }
0x1b: {  	[sflag:s12] =	ssyncadd.s32 $0xFFFFEC00  }
0x1c: {  	[tilespmem:s15], [sflag:$0x1] =	stream.indirect.gather [hbm4b:s4+s14], $0x80, s3, s14, $0xb8;
	[tilespmem:$0x1E400] =	vst v63  }
0x1d: {  	_ = 	snop  }
0x1e: {  	[tilespmem:s16], [sflag:$0x2] =	stream.indirect.gather [hbm4b:s4+s14], $0x80, s14, s14, $0xb8;
	[tilespmem:$0x1E400] =	vst v63  }
0x1f: {  	[spmem:s18], [sflag:s17] =	dma.local [hbm:s7], $0x2780  }
0x20: {  	_ =	swait.ge [sflag:s12], $0x2780  }
0x21: {  	[sflag:s12] =	ssyncset.done $0x0  }
0x22: {  	[sflag:s12] =	ssyncadd.s32 $0xFFFFD880  }
0x23: {  	[bflag:$0x0] =	sbarrier.arrive $0xFFFF  }
0x24: {  	_ =	swait.ge [sflag:s19], $0x4000  }
0x25: {  	[sflag:s19] =	ssyncset.done $0x0  }
0x26: {  	s26 =	simm.s32 $0x1400;
	[sflag:s19] =	ssyncadd.s32 $0xFFFFC000  }
0x27: {  	[spmem:s1] =	stream.indirect.scatter.add.f32 [tilespmem:s15], [sflag:$0x3], $0x80, s26, s14, $0xb8;
	[tilespmem:$0x1E400] =	vst v63  }
0x28: {  	_ =	swait.ge [sflag:s20], $0x4000  }
0x29: {  	[sflag:s20] =	ssyncset.done $0x0  }
0x2a: {  	s30 =	simm.s32 $0x1480;
	[sflag:s20] =	ssyncadd.s32 $0xFFFFC000  }
0x2b: {  	[spmem:s1] =	stream.indirect.scatter.add.f32 [tilespmem:s16], [sflag:$0x4], $0x80, s30, s14, $0xb8;
	[tilespmem:$0x1E400] =	vst v63  }
0x2c: {  	_ =	swait.ge [sflag:s21], $0x4000  }
0x2d: {  	[sflag:s21] =	ssyncset.done $0x0  }
0x2e: {  	s31 =	simm.s32 $0x100;
	[sflag:s21] =	ssyncadd.s32 $0xFFFFC000  }
0x2f: {  	[tilespmem:s15], [sflag:$0x1] =	stream.indirect.gather [hbm4b:s4+s14], $0x80, s31, s14, $0xb8;
	[tilespmem:$0x1E400] =	vst v63  }
0x30: {  	_ =	swait.ge [sflag:s22], $0x4000  }
0x31: {  	[sflag:s22] =	ssyncset.done $0x0  }
0x32: {  	s28 =	simm.s32 $0x180;
	s26 =	simm.s32 $0x400;
	[sflag:s22] =	ssyncadd.s32 $0xFFFFC000  }
.LBB2_2:
0x33: {  	[tilespmem:s16], [sflag:$0x2] =	stream.indirect.gather [hbm4b:s4+s14], $0x80, s28, s14, $0xb8;
	[tilespmem:$0x1E400] =	vst v63  }
0x34: {  	s28 =	smov.u32 s26  }
0x35: {  	p0 =	sne.s32 s26, $0x4800;
	s26 =	sadd.s32 $0x400, s26;
	_ =	swait.ge [sflag:s19], $0x4000  }
0x36: {  	s28 =	sshra.s32 s28, $0x2;
	[sflag:s19] =	ssyncset.done $0x0  }
0x37: {  	s29 =	sadd.s32 $0x1400, s28;
	[sflag:s19] =	ssyncadd.s32 $0xFFFFC000  }
0x38: {  	[spmem:s1] =	stream.indirect.scatter.add.f32 [tilespmem:s15], [sflag:$0x3], $0x80, s29, s14, $0xb8;
	[tilespmem:$0x1E400] =	vst v63  }
0x39: {  	_ =	swait.ge [sflag:s20], $0x4000  }
0x3a: {  	[sflag:s20] =	ssyncset.done $0x0  }
0x3b: {  	s29 =	sadd.s32 $0x1480, s28;
	[sflag:s20] =	ssyncadd.s32 $0xFFFFC000  }
0x3c: {  	[spmem:s1] =	stream.indirect.scatter.add.f32 [tilespmem:s16], [sflag:$0x4], $0x80, s29, s14, $0xb8;
	[tilespmem:$0x1E400] =	vst v63  }
0x3d: {  	_ =	swait.ge [sflag:s21], $0x4000  }
0x3e: {  	[sflag:s21] =	ssyncset.done $0x0  }
.Ltmp0:
0x3f: {  	s29 =	sadd.s32 $0x100, s28;
	[sflag:s21] =	ssyncadd.s32 $0xFFFFC000;
	(pc) =	sbr.rel @p0 .LBB2_2-.Ltmp0, $4  }
0x40: {  	[tilespmem:s15], [sflag:$0x1] =	stream.indirect.gather [hbm4b:s4+s14], $0x80, s29, s14, $0xb8;
	[tilespmem:$0x1E400] =	vst v63  }
0x41: {  	_ =	swait.ge [sflag:s22], $0x4000  }
0x42: {  	[sflag:s22] =	ssyncset.done $0x0  }
0x43: {  	s28 =	sadd.s32 $0x180, s28;
	[sflag:s22] =	ssyncadd.s32 $0xFFFFC000  }
0x44: {  	[tilespmem:s16], [sflag:$0x2] =	stream.indirect.gather [hbm4b:s4+s14], $0x80, s28, s14, $0xb8;
	[tilespmem:$0x1E400] =	vst v63  }
0x45: {  	_ =	swait.ge [sflag:s19], $0x4000  }
0x46: {  	[sflag:s19] =	ssyncset.done $0x0  }
0x47: {  	[sflag:s19] =	ssyncadd.s32 $0xFFFFC000  }
0x48: {  	[spmem:s1] =	stream.indirect.scatter.add.f32 [tilespmem:s15], [sflag:$0x3], $0x80, s23, s14, $0xb8;
	[tilespmem:$0x1E400] =	vst v63  }
0x49: {  	_ =	swait.ge [sflag:s20], $0x4000  }
0x4a: {  	[sflag:s20] =	ssyncset.done $0x0  }
0x4b: {  	[sflag:s20] =	ssyncadd.s32 $0xFFFFC000  }
0x4c: {  	[spmem:s1] =	stream.indirect.scatter.add.f32 [tilespmem:s16], [sflag:$0x4], $0x80, s24, s14, $0xb8;
	[tilespmem:$0x1E400] =	vst v63  }
0x4d: {  	_ =	swait.ge [sflag:s21], $0x4000  }
0x4e: {  	[sflag:s21] =	ssyncset.done $0x0  }
0x4f: {  	[sflag:s21] =	ssyncadd.s32 $0xFFFFC000  }
0x50: {  	_ =	swait.ge [sflag:s22], $0x4000  }
0x51: {  	[sflag:s22] =	ssyncset.done $0x0  }
0x52: {  	s26 =	simm.s32 $0x0;
	[sflag:s22] =	ssyncadd.s32 $0xFFFFC000  }
0x53: {  	[tilespmem:s26], [sflag:$0x5] =	stream.linear.gather [hbm4b:s8+s26], $0x1400, $0x38;
	[tilespmem:$0x1E400] =	vst v63  }
0x54: {  	_ =	swait.ge [sflag:s12], $0x1400  }
0x55: {  	[sflag:s12] =	ssyncset.done $0x0  }
0x56: {  	[sflag:s12] =	ssyncadd.s32 $0xFFFFEC00  }
0x57: {  	[tilespmem:s13], [sflag:$0x5] =	stream.linear.gather [hbm4b:s9+s26], $0x1400, $0x38;
	[tilespmem:$0x1E400] =	vst v63  }
0x58: {  	_ =	swait.ge [sflag:s12], $0x1400  }
0x59: {  	[sflag:s12] =	ssyncset.done $0x0  }
0x5a: {  	[sflag:s12] =	ssyncadd.s32 $0xFFFFEC00  }
0x5b: {  	[tilespmem:s15], [sflag:$0x1] =	stream.indirect.gather [hbm4b:s4+s14], $0x80, s26, s14, $0xb8;
	[tilespmem:$0x1E400] =	vst v63  }
0x5c: {  	_ = 	snop  }
0x5d: {  	[tilespmem:s16], [sflag:$0x2] =	stream.indirect.gather [hbm4b:s4+s14], $0x80, s14, s14, $0xb8;
	[tilespmem:$0x1E400] =	vst v63  }
0x5e: {  	_ =	swait.ge [sflag:s19], $0x4000  }
0x5f: {  	[sflag:s19] =	ssyncset.done $0x0  }
0x60: {  	s29 =	simm.s32 $0x1400;
	[sflag:s19] =	ssyncadd.s32 $0xFFFFC000  }
0x61: {  	[spmem:s1] =	stream.indirect.scatter.add.f32 [tilespmem:s15], [sflag:$0x3], $0x80, s29, s14, $0xb8;
	[tilespmem:$0x1E400] =	vst v63  }
0x62: {  	_ =	swait.ge [sflag:s20], $0x4000  }
0x63: {  	[sflag:s20] =	ssyncset.done $0x0  }
0x64: {  	s30 =	simm.s32 $0x1480;
	[sflag:s20] =	ssyncadd.s32 $0xFFFFC000  }
0x65: {  	[spmem:s1] =	stream.indirect.scatter.add.f32 [tilespmem:s16], [sflag:$0x4], $0x80, s30, s14, $0xb8;
	[tilespmem:$0x1E400] =	vst v63  }
0x66: {  	_ =	swait.ge [sflag:s21], $0x4000  }
0x67: {  	[sflag:s21] =	ssyncset.done $0x0  }
0x68: {  	s31 =	simm.s32 $0x100;
	[sflag:s21] =	ssyncadd.s32 $0xFFFFC000  }
0x69: {  	[tilespmem:s15], [sflag:$0x1] =	stream.indirect.gather [hbm4b:s4+s14], $0x80, s31, s14, $0xb8;
	[tilespmem:$0x1E400] =	vst v63  }
0x6a: {  	_ =	swait.ge [sflag:s22], $0x4000  }
0x6b: {  	[sflag:s22] =	ssyncset.done $0x0  }
0x6c: {  	s28 =	simm.s32 $0x180;
	s26 =	simm.s32 $0x400;
	[sflag:s22] =	ssyncadd.s32 $0xFFFFC000  }
.LBB2_4:
0x6d: {  	[tilespmem:s16], [sflag:$0x2] =	stream.indirect.gather [hbm4b:s4+s14], $0x80, s28, s14, $0xb8;
	[tilespmem:$0x1E400] =	vst v63  }
0x6e: {  	s28 =	smov.u32 s26  }
0x6f: {  	p0 =	sne.s32 s26, $0x4800;
	s26 =	sadd.s32 $0x400, s26;
	_ =	swait.ge [sflag:s19], $0x4000  }
0x70: {  	s28 =	sshra.s32 s28, $0x2;
	[sflag:s19] =	ssyncset.done $0x0  }
0x71: {  	s29 =	sadd.s32 $0x1400, s28;
	[sflag:s19] =	ssyncadd.s32 $0xFFFFC000  }
0x72: {  	[spmem:s1] =	stream.indirect.scatter.add.f32 [tilespmem:s15], [sflag:$0x3], $0x80, s29, s14, $0xb8;
	[tilespmem:$0x1E400] =	vst v63  }
0x73: {  	_ =	swait.ge [sflag:s20], $0x4000  }
0x74: {  	[sflag:s20] =	ssyncset.done $0x0  }
0x75: {  	s29 =	sadd.s32 $0x1480, s28;
	[sflag:s20] =	ssyncadd.s32 $0xFFFFC000  }
0x76: {  	[spmem:s1] =	stream.indirect.scatter.add.f32 [tilespmem:s16], [sflag:$0x4], $0x80, s29, s14, $0xb8;
	[tilespmem:$0x1E400] =	vst v63  }
0x77: {  	_ =	swait.ge [sflag:s21], $0x4000  }
0x78: {  	[sflag:s21] =	ssyncset.done $0x0  }
.Ltmp1:
0x79: {  	s29 =	sadd.s32 $0x100, s28;
	[sflag:s21] =	ssyncadd.s32 $0xFFFFC000;
	(pc) =	sbr.rel @p0 .LBB2_4-.Ltmp1, $4  }
0x7a: {  	[tilespmem:s15], [sflag:$0x1] =	stream.indirect.gather [hbm4b:s4+s14], $0x80, s29, s14, $0xb8;
	[tilespmem:$0x1E400] =	vst v63  }
0x7b: {  	_ =	swait.ge [sflag:s22], $0x4000  }
0x7c: {  	[sflag:s22] =	ssyncset.done $0x0  }
0x7d: {  	s28 =	sadd.s32 $0x180, s28;
	[sflag:s22] =	ssyncadd.s32 $0xFFFFC000  }
0x7e: {  	[tilespmem:s16], [sflag:$0x2] =	stream.indirect.gather [hbm4b:s4+s14], $0x80, s28, s14, $0xb8;
	[tilespmem:$0x1E400] =	vst v63  }
0x7f: {  	_ =	swait.ge [sflag:s19], $0x4000  }
0x80: {  	[sflag:s19] =	ssyncset.done $0x0  }
0x81: {  	[sflag:s19] =	ssyncadd.s32 $0xFFFFC000  }
0x82: {  	[spmem:s1] =	stream.indirect.scatter.add.f32 [tilespmem:s15], [sflag:$0x3], $0x80, s23, s14, $0xb8;
	[tilespmem:$0x1E400] =	vst v63  }
0x83: {  	_ =	swait.ge [sflag:s20], $0x4000  }
0x84: {  	[sflag:s20] =	ssyncset.done $0x0  }
0x85: {  	[sflag:s20] =	ssyncadd.s32 $0xFFFFC000  }
0x86: {  	[spmem:s1] =	stream.indirect.scatter.add.f32 [tilespmem:s16], [sflag:$0x4], $0x80, s24, s14, $0xb8;
	[tilespmem:$0x1E400] =	vst v63  }
0x87: {  	_ =	swait.ge [sflag:s21], $0x4000  }
0x88: {  	[sflag:s21] =	ssyncset.done $0x0  }
0x89: {  	[sflag:s21] =	ssyncadd.s32 $0xFFFFC000  }
0x8a: {  	_ =	swait.ge [sflag:s22], $0x4000  }
0x8b: {  	s25 =	sadd.s32 $0x1, s25;
	[sflag:s22] =	ssyncset.done $0x0  }
0x8c: {  	p0 =	sne.s32 s25, s11;
	[sflag:s22] =	ssyncadd.s32 $0xFFFFC000  }
.Ltmp2:
0x8d: {  	[bflag:$0x0] =	sbarrier.arrive $0xFFFF;
	(pc) =	sbr.rel @p0 .LBB2_1-.Ltmp2, $4  }
0x8e: {  	[hbm:s10], [sflag:s17] =	dma.local [spmem:s18], $0x2780  }
0x8f: {  	_ =	swait.ge [sflag:s12], $0x2780  }
0x90: {  	[sflag:s12] =	ssyncset.done $0x0  }
0x91: {  	[sflag:s12] =	ssyncadd.s32 $0xFFFFD880  }
0x92: {  	_ =	sfence.sel $0x180000  }
0x93: {  	[bflag:$0x0] =	sbarrier.arrive $0xFFFF  }
0x94: {  	p0 =	sne.s32 s2, $0x0;
	_ =	strace $0x90000047  }
0x95: {  	s0 =	sadd.s32 @!p0 $0x100000, s0;
	[bflag:$0x2] =	sbarrier.arrive $0xFFFF  }
0x96: {  	[sflag:s0] =	ssyncadd.tile.s32 @!p0 $0x1;
	_ =	shalt  }
.Lfunc_end2:
_tile_overlayer_lowered:
.L_overlay_start_2:
0x97: {  	(tag) =	ssettag $0x2  }
0x98: {  	s0 =	rddreg [dreg:$0x0];
	s2 =	stileid.u32  }
0x99: {  	s1 =	rddreg [dreg:$0x1];
	p0 =	sne.s32 s2, $0x0  }
0x9a: {  	s3 =	rddreg [dreg:$0x2];
	[bflag:$0x3] =	sbarrier.arrive $0xFFFF;
	s2 =	simm.s32 @!p0 $0x1C05  }
0x9b: {  	[timem:s3], [sflag:s2] =	dma.local @!p0 [hbm:s0], s1  }
0x9c: {  	s0 =	simm.s32 @!p0 $0x5  }
0x9d: {  	_ =	swait.ge @!p0 [sflag:s0], s1  }
0x9e: {  	s1 =	ssub.s32 @!p0 $0x0, s1;
	[sflag:s0] =	ssyncset.done @!p0 $0x0  }
0x9f: {  	[sflag:s0] =	ssyncadd.s32 @!p0 s1  }
0xa0: {  	[bflag:$0x3] =	sbarrier.arrive $0xFFFF  }
0xa1: {  	_ =	shalt  }

</sc_bundles>
